<compile_context>
chip_gen: v7x
topology: tpu7x:2x2x1
jax: 0.10.2.dev20260603
libtpu: 0.0.44.dev20260713+nightly
codegen_flags: <defaults>
</compile_context>

<pallas_src>
import functools

import jax
import jax.numpy as jnp
from jax import lax
from jax.experimental import pallas as pl
from jax.experimental.pallas import tpu as pltpu
from jax.experimental.pallas import tpu_sc as plsc

NC = 2
NS = 16
LANE = 128
NCH = 4


def _chunks(ept):
    lb = (ept // NCH) // 16 * 16
    lens = [lb] * (NCH - 1) + [ept - (NCH - 1) * lb]
    offs = [i * lb for i in range(NCH)]
    return lens, offs


def _sc_degree(edge, w, zeros_np, np_, ept, eoff):
    slc = np_ // NS
    lens, offs = _chunks(ept)
    mesh = plsc.VectorSubcoreMesh(core_axis_name="c", subcore_axis_name="s",
                                  num_cores=NC, num_subcores=NS)

    @functools.partial(
        pl.kernel,
        out_type=jax.ShapeDtypeStruct((NC, np_), jnp.float32),
        mesh=mesh,
        scratch_types=[
            [pltpu.VMEM((l,), jnp.int32) for l in lens],
            pltpu.VMEM((ept,), jnp.float32),
            pltpu.SemaphoreType.DMA,
            pltpu.SemaphoreType.DMA,
            pltpu.VMEM_SHARED((np_,), jnp.float32),
        ],
    )
    def k(edge_h, w_h, z_h, out_h, col_c, w_v, stsem, ssem, acc):
        cid = lax.axis_index("c")
        sid = lax.axis_index("s")
        base = (sid * NC + cid) * ept
        ds = [pltpu.async_copy(edge_h.at[pl.ds(eoff + base + offs[i], lens[i])],
                               col_c[i], stsem) for i in range(NCH)]
        dw = pltpu.async_copy(w_h.at[pl.ds(base, ept)], w_v, stsem)
        pltpu.sync_copy(z_h.at[pl.ds(sid * slc, slc)], acc.at[pl.ds(sid * slc, slc)])
        for d in ds:
            d.wait()
        dw.wait()
        plsc.subcore_barrier()
        for i in range(NCH):
            pltpu.async_copy(w_v.at[pl.ds(offs[i], lens[i])], acc.at[col_c[i]],
                             ssem, add=True)
        for i in range(NCH):
            pltpu.make_async_copy(w_v.at[pl.ds(offs[i], lens[i])],
                                  acc.at[col_c[i]], ssem).wait()
        plsc.subcore_barrier()
        pltpu.sync_copy(acc.at[pl.ds(sid * slc, slc)],
                        out_h.at[cid, pl.ds(sid * slc, slc)])

    return k(edge, w, zeros_np)


def _sc_weighted_agg(edge, w, degp, xp, zeros_np, np_, ept, eoff):
    slc = np_ // NS
    lens, offs = _chunks(ept)
    lmax = -(-max(lens) // 16) * 16
    mesh = plsc.VectorSubcoreMesh(core_axis_name="c", subcore_axis_name="s",
                                  num_cores=NC, num_subcores=NS)

    @functools.partial(
        pl.kernel,
        out_type=(jax.ShapeDtypeStruct((NC, np_), jnp.float32),
                  jax.ShapeDtypeStruct((np_,), jnp.float32)),
        mesh=mesh,
        scratch_types=[
            [pltpu.VMEM((l,), jnp.int32) for l in lens],
            pltpu.VMEM((ept,), jnp.int32),
            pltpu.VMEM((ept,), jnp.float32),
            pltpu.VMEM((lmax,), jnp.float32),
            pltpu.VMEM((lmax,), jnp.float32),
            pltpu.VMEM((lmax,), jnp.float32),
            pltpu.VMEM((lmax,), jnp.float32),
            pltpu.VMEM((slc,), jnp.float32),
            pltpu.VMEM((slc,), jnp.float32),
            pltpu.VMEM((slc,), jnp.float32),
            pltpu.VMEM((slc,), jnp.float32),
            pltpu.VMEM((slc,), jnp.float32),
            pltpu.SemaphoreType.DMA,
            pltpu.SemaphoreType.DMA,
            pltpu.SemaphoreType.DMA,
            pltpu.SemaphoreType.DMA,
            pltpu.SemaphoreType.DMA,
            pltpu.VMEM_SHARED((np_,), jnp.float32),
            pltpu.VMEM_SHARED((np_,), jnp.float32),
        ],
    )
    def k(edge_h, w_h, degp_h, x_h, z_h, sp_h, dinv_h,
          col_c, row_v, w_v, uvA, uvB, tvA, tvB, p0v, p1v, xcv, ucv, dcv,
          stsem, gA, gB, sA, sB, u_sh, acc):
        cid = lax.axis_index("c")
        sid = lax.axis_index("s")
        base = (sid * NC + cid) * ept
        off = sid * slc
        dstage = [pltpu.async_copy(edge_h.at[pl.ds(eoff + base + offs[i], lens[i])],
                                   col_c[i], stsem) for i in range(NCH)]
        dstage.append(pltpu.async_copy(edge_h.at[pl.ds(base, ept)], row_v,
                                       stsem))
        dstage.append(pltpu.async_copy(w_h.at[pl.ds(base, ept)], w_v, stsem))
        pltpu.sync_copy(z_h.at[pl.ds(off, slc)], acc.at[pl.ds(off, slc)])
        pltpu.sync_copy(degp_h.at[0, pl.ds(off, slc)], p0v)
        pltpu.sync_copy(degp_h.at[1, pl.ds(off, slc)], p1v)
        pltpu.sync_copy(x_h.at[pl.ds(off, slc)], xcv)

        def newton(i, c):
            sl = pl.ds(i * 16, 16)
            d = p0v[sl] + p1v[sl] + 1.0
            iv = lax.bitcast_convert_type(d, jnp.int32)
            y = lax.bitcast_convert_type(
                jnp.full((16,), 0x5F3759DF, jnp.int32) - jnp.right_shift(iv, 1),
                jnp.float32)
            for _ in range(3):
                y = y * (1.5 - 0.5 * d * y * y)
            dcv[sl] = y
            ucv[sl] = y * xcv[sl]
            return c

        lax.fori_loop(0, slc // 16, newton, 0)
        pltpu.sync_copy(ucv, u_sh.at[pl.ds(off, slc)])

        @pl.when(cid == 0)
        def _():
            pltpu.sync_copy(dcv, dinv_h.at[pl.ds(off, slc)])

        plsc.subcore_barrier()
        for d in dstage:
            d.wait()

        def g_fire(ci, uvX, sem):
            return pltpu.async_copy(
                u_sh.at[row_v.at[pl.ds(offs[ci], lens[ci])]],
                uvX.at[pl.ds(0, lens[ci])], sem)

        def s_fire(ci, tvX, sem):
            return pltpu.async_copy(tvX.at[pl.ds(0, lens[ci])],
                                    acc.at[col_c[ci]], sem, add=True)

        def s_drain(ci, tvX, sem):
            pltpu.make_async_copy(tvX.at[pl.ds(0, lens[ci])],
                                  acc.at[col_c[ci]], sem).wait()

        def mul(ci, uvX, tvX):
            n16 = -(-lens[ci] // 16)

            def b(i, c):
                sl = pl.ds(i * 16, 16)
                tvX[sl] = w_v[pl.ds(offs[ci] + i * 16, 16)] * uvX[sl]
                return c

            lax.fori_loop(0, n16, b, 0)

        ga = g_fire(0, uvA, gA)
        gb = g_fire(1, uvB, gB)
        for c in range(0, NCH, 2):
            ga.wait()
            if c >= 2:
                s_drain(c - 2, tvA, sA)
            mul(c, uvA, tvA)
            s_fire(c, tvA, sA)
            if c + 2 < NCH:
                ga = g_fire(c + 2, uvA, gA)
            gb.wait()
            if c >= 2:
                s_drain(c - 1, tvB, sB)
            mul(c + 1, uvB, tvB)
            s_fire(c + 1, tvB, sB)
            if c + 3 < NCH:
                gb = g_fire(c + 3, uvB, gB)
        s_drain(NCH - 2, tvA, sA)
        s_drain(NCH - 1, tvB, sB)
        plsc.subcore_barrier()
        pltpu.sync_copy(acc.at[pl.ds(off, slc)], sp_h.at[cid, pl.ds(off, slc)])

    return k(edge, w, degp, xp, zeros_np)


def _tc_tail(sp3, x2, dv2, gates, hid):
    r = x2.shape[0]

    def k(sp_r, x_r, dv_r, g_r, o_r):
        dv = dv_r[...]
        s = dv * (sp_r[0] + sp_r[1]) + dv * dv * x_r[...]

        def body(kk, acc):
            z = jax.nn.sigmoid(s * g_r[0, kk] + g_r[1, kk])
            t = jnp.tanh(s * g_r[2, kk] + g_r[3, kk])
            return acc + jax.nn.relu((1.0 - z) * t) * g_r[4, kk]

        acc = lax.fori_loop(0, hid, body, jnp.zeros_like(s))
        o_r[...] = acc + g_r[5, 0]

    return pl.pallas_call(
        k,
        in_specs=[
            pl.BlockSpec(memory_space=pltpu.VMEM),
            pl.BlockSpec(memory_space=pltpu.VMEM),
            pl.BlockSpec(memory_space=pltpu.VMEM),
            pl.BlockSpec(memory_space=pltpu.SMEM),
        ],
        out_specs=pl.BlockSpec(memory_space=pltpu.VMEM),
        out_shape=jax.ShapeDtypeStruct((r, LANE), jnp.float32),
    )(sp3, x2, dv2, gates)


def kernel(x, edge_index, edge_weight, Wz, bz, Lz_W, Lz_b, Wr, br, Lr_W, Lr_b,
           Wh, bh, Lh_W, Lh_b, Wl, bl):
    n = x.shape[0]
    e = edge_weight.shape[0]
    hid = Wz.shape[1]
    nw = NC * NS

    edge = edge_index.astype(jnp.int32)
    w = edge_weight.astype(jnp.float32)

    ept = -(-e // (nw * 8)) * 8
    if ept * nw != e:
        pad = ept * nw - e
        edge = jnp.pad(edge, ((0, 0), (0, pad)))
        w = jnp.pad(w, (0, pad))
    eoff = ept * nw
    edge = edge.reshape(2 * eoff)

    np_ = -(-n // (NS * LANE)) * (NS * LANE)
    xp = jnp.concatenate([x[:, 0], jnp.zeros((np_ - n,), jnp.float32)])
    zeros_np = jnp.zeros((np_,), jnp.float32)

    degp = _sc_degree(edge, w, zeros_np, np_, ept, eoff)
    sp, dinv = _sc_weighted_agg(edge, w, degp, xp, zeros_np, np_, ept, eoff)

    lzt = Lz_W[:hid]
    lht = Lh_W[:hid]
    az = Wz[0] @ lzt
    cz = bz @ lzt + Lz_b
    ah = Wh[0] @ lht
    ch = bh @ lht + Lh_b
    gates = jnp.stack([az, cz, ah, ch, Wl[:, 0], jnp.full((hid,), bl[0])])

    nr = np_ // LANE
    pred2 = _tc_tail(sp.reshape(NC, nr, LANE), xp.reshape(nr, LANE),
                     dinv.reshape(nr, LANE), gates, hid)
    return pred2.reshape(np_)[:n].reshape(n, 1)

# --- scband reference (transcript-rebuilt; emitter-appended) ---
"""Pipeline reference for scband-traffic-predictor-gnn-58351425683571 (READ-ONLY COPY).

The authoritative reference and input builder live on the scoring server;
editing this copy changes nothing except your own understanding.
"""

import jax, jax.numpy as jnp
import numpy as np

N = 50000
E = 800000
IN_CH = 1
HID = 64


def setup_inputs(seed: int = 0) -> dict:
    key = jax.random.key(seed)
    ks = jax.random.split(key, 20)
    inp = {}
    inp["x"] = jax.random.normal(ks[0], (N, IN_CH), dtype=jnp.float32)
    inp["edge_index"] = jax.random.randint(ks[1], (2, E), 0, N)
    inp["edge_weight"] = jax.random.uniform(ks[2], (E,), dtype=jnp.float32)
    # TGCN = GRU cell built from three GCNConv layers + three Linear(2*HID, HID)
    s_c = 1.0 / np.sqrt(IN_CH)
    s_l = 1.0 / np.sqrt(2 * HID)
    s_o = 1.0 / np.sqrt(HID)
    inp["Wz"] = jax.random.uniform(ks[3], (IN_CH, HID), jnp.float32, -s_c, s_c)
    inp["bz"] = jnp.zeros((HID,), jnp.float32)
    inp["Lz_W"] = jax.random.uniform(ks[4], (2 * HID, HID), jnp.float32, -s_l, s_l)
    inp["Lz_b"] = jax.random.uniform(ks[5], (HID,), jnp.float32, -s_l, s_l)
    inp["Wr"] = jax.random.uniform(ks[6], (IN_CH, HID), jnp.float32, -s_c, s_c)
    inp["br"] = jnp.zeros((HID,), jnp.float32)
    inp["Lr_W"] = jax.random.uniform(ks[7], (2 * HID, HID), jnp.float32, -s_l, s_l)
    inp["Lr_b"] = jax.random.uniform(ks[8], (HID,), jnp.float32, -s_l, s_l)
    inp["Wh"] = jax.random.uniform(ks[9], (IN_CH, HID), jnp.float32, -s_c, s_c)
    inp["bh"] = jnp.zeros((HID,), jnp.float32)
    inp["Lh_W"] = jax.random.uniform(ks[10], (2 * HID, HID), jnp.float32, -s_l, s_l)
    inp["Lh_b"] = jax.random.uniform(ks[11], (HID,), jnp.float32, -s_l, s_l)
    inp["Wl"] = jax.random.uniform(ks[12], (HID, 1), jnp.float32, -s_o, s_o)
    inp["bl"] = jax.random.uniform(ks[13], (1,), jnp.float32, -s_o, s_o)
    return inp


def _gcn_conv(x, edge_index, edge_weight, W, b):
    # GCNConv with add_self_loops=True and symmetric normalization
    n = x.shape[0]
    row = edge_index[0]
    col = edge_index[1]
    loop = jnp.arange(n, dtype=row.dtype)
    row = jnp.concatenate([row, loop])
    col = jnp.concatenate([col, loop])
    w = jnp.concatenate([edge_weight, jnp.ones((n,), edge_weight.dtype)])
    deg = jnp.zeros((n,), x.dtype).at[col].add(w)
    dinv = jnp.where(deg > 0, jax.lax.rsqrt(jnp.where(deg > 0, deg, 1.0)), 0.0)
    norm = dinv[row] * w * dinv[col]
    xw = x @ W
    msg = xw[row] * norm[:, None]
    out = jnp.zeros((n, W.shape[1]), x.dtype).at[col].add(msg)
    return out + b


def reference(x, edge_index, edge_weight, Wz, bz, Lz_W, Lz_b, Wr, br, Lr_W, Lr_b, Wh, bh, Lh_W, Lh_b, Wl, bl):
    H0 = jnp.zeros((x.shape[0], Wz.shape[1]), x.dtype)  # initial hidden state (H=None)
    Z = jax.nn.sigmoid(jnp.concatenate([_gcn_conv(x, edge_index, edge_weight, Wz, bz), H0], axis=1) @ Lz_W + Lz_b)
    R = jax.nn.sigmoid(jnp.concatenate([_gcn_conv(x, edge_index, edge_weight, Wr, br), H0], axis=1) @ Lr_W + Lr_b)
    Ht = jnp.tanh(jnp.concatenate([_gcn_conv(x, edge_index, edge_weight, Wh, bh), H0 * R], axis=1) @ Lh_W + Lh_b)
    Hn = Z * H0 + (1.0 - Z) * Ht
    h = jax.nn.relu(Hn)
    prediction = h @ Wl + bl
    return prediction

if __name__ == "__main__":
    import jax
    _d = setup_inputs()
    print(jax.jit(kernel)(*tuple(_d.values())))

</pallas_src>

<mosaic_0001>
#map = affine_map<(d0, d1) -> (0)>
#map1 = affine_map<(d0, d1) -> (0, 0)>
module attributes {stable_mosaic.version = 14 : i64} {
  func.func @k(%arg0: i32, %arg1: i32, %arg2: memref<1600000xi32, #tpu.memory_space<hbm>>, %arg3: memref<800000xf32, #tpu.memory_space<hbm>>, %arg4: memref<2x51200xf32, #tpu.memory_space<hbm>>, %arg5: memref<51200xf32, #tpu.memory_space<hbm>>, %arg6: memref<51200xf32, #tpu.memory_space<hbm>>, %arg7: memref<2x51200xf32, #tpu.memory_space<hbm>>, %arg8: memref<51200xf32, #tpu.memory_space<hbm>>, %arg9: memref<6240xi32, #tpu.memory_space<vmem>>, %arg10: memref<6240xi32, #tpu.memory_space<vmem>>, %arg11: memref<6240xi32, #tpu.memory_space<vmem>>, %arg12: memref<6280xi32, #tpu.memory_space<vmem>>, %arg13: memref<25000xi32, #tpu.memory_space<vmem>>, %arg14: memref<25000xf32, #tpu.memory_space<vmem>>, %arg15: memref<6288xf32, #tpu.memory_space<vmem>>, %arg16: memref<6288xf32, #tpu.memory_space<vmem>>, %arg17: memref<6288xf32, #tpu.memory_space<vmem>>, %arg18: memref<6288xf32, #tpu.memory_space<vmem>>, %arg19: memref<3200xf32, #tpu.memory_space<vmem>>, %arg20: memref<3200xf32, #tpu.memory_space<vmem>>, %arg21: memref<3200xf32, #tpu.memory_space<vmem>>, %arg22: memref<3200xf32, #tpu.memory_space<vmem>>, %arg23: memref<3200xf32, #tpu.memory_space<vmem>>, %arg24: memref<!tpu.dma_semaphore, #tpu.memory_space<semaphore_mem>>, %arg25: memref<!tpu.dma_semaphore, #tpu.memory_space<semaphore_mem>>, %arg26: memref<!tpu.dma_semaphore, #tpu.memory_space<semaphore_mem>>, %arg27: memref<!tpu.dma_semaphore, #tpu.memory_space<semaphore_mem>>, %arg28: memref<!tpu.dma_semaphore, #tpu.memory_space<semaphore_mem>>, %arg29: memref<51200xf32, #tpu.memory_space<vmem_shared>>, %arg30: memref<51200xf32, #tpu.memory_space<vmem_shared>>) attributes {dimension_semantics = [#tpu.dimension_semantics<core_parallel>, #tpu.dimension_semantics<subcore_parallel>], iteration_bounds = array<i64: 2, 16>, scalar_prefetch = 0 : i64, scratch_operands = 22 : i64, tpu.core_type = #tpu.core_type<sc_vector_subcore>, window_params = [{transform_indices = #map}, {transform_indices = #map}, {transform_indices = #map1}, {transform_indices = #map}, {transform_indices = #map}, {transform_indices = #map1}, {transform_indices = #map}]} {
    %mul3A = arith.constant 2 : i32
    %mul3A_0 = arith.muli %arg1, %mul3A : i32
    %add3A = arith.addi %mul3A_0, %arg0 : i32
    %mul3A_1 = arith.constant 25000 : i32
    %mul3A_2 = arith.muli %add3A, %mul3A_1 : i32
    %mul3A_3 = arith.constant 3200 : i32
    %mul3A_4 = arith.muli %arg1, %mul3A_3 : i32
    %add3A_5 = arith.constant 800000 : i32
    %add3A_6 = arith.addi %add3A_5, %mul3A_2 : i32
    %add3A_7 = arith.constant 0 : i32
    %add3A_8 = arith.addi %add3A_6, %add3A_7 : i32
    %dma_start3A = tpu.memref_slice %arg2[%add3A_8] : memref<1600000xi32, #tpu.memory_space<hbm>> -> memref<6240xi32, #tpu.memory_space<hbm>>
    %dma_start3A_9 = tpu.memref_slice %arg2[%add3A_8] : memref<1600000xi32, #tpu.memory_space<hbm>> -> memref<6240xi32, #tpu.memory_space<hbm>>
    tpu.enqueue_dma source(%dma_start3A_9 : memref<6240xi32, #tpu.memory_space<hbm>>) target(%arg9 : memref<6240xi32, #tpu.memory_space<vmem>>) target_semaphore(%arg24 : memref<!tpu.dma_semaphore, #tpu.memory_space<semaphore_mem>>)
    %add3A_10 = arith.constant 800000 : i32
    %add3A_11 = arith.addi %add3A_10, %mul3A_2 : i32
    %add3A_12 = arith.constant 6240 : i32
    %add3A_13 = arith.addi %add3A_11, %add3A_12 : i32
    %dma_start3A_14 = tpu.memref_slice %arg2[%add3A_13] : memref<1600000xi32, #tpu.memory_space<hbm>> -> memref<6240xi32, #tpu.memory_space<hbm>>
    %dma_start3A_15 = tpu.memref_slice %arg2[%add3A_13] : memref<1600000xi32, #tpu.memory_space<hbm>> -> memref<6240xi32, #tpu.memory_space<hbm>>
    tpu.enqueue_dma source(%dma_start3A_15 : memref<6240xi32, #tpu.memory_space<hbm>>) target(%arg10 : memref<6240xi32, #tpu.memory_space<vmem>>) target_semaphore(%arg24 : memref<!tpu.dma_semaphore, #tpu.memory_space<semaphore_mem>>)
    %add3A_16 = arith.constant 800000 : i32
    %add3A_17 = arith.addi %add3A_16, %mul3A_2 : i32
    %add3A_18 = arith.constant 12480 : i32
    %add3A_19 = arith.addi %add3A_17, %add3A_18 : i32
    %dma_start3A_20 = tpu.memref_slice %arg2[%add3A_19] : memref<1600000xi32, #tpu.memory_space<hbm>> -> memref<6240xi32, #tpu.memory_space<hbm>>
    %dma_start3A_21 = tpu.memref_slice %arg2[%add3A_19] : memref<1600000xi32, #tpu.memory_space<hbm>> -> memref<6240xi32, #tpu.memory_space<hbm>>
    tpu.enqueue_dma source(%dma_start3A_21 : memref<6240xi32, #tpu.memory_space<hbm>>) target(%arg11 : memref<6240xi32, #tpu.memory_space<vmem>>) target_semaphore(%arg24 : memref<!tpu.dma_semaphore, #tpu.memory_space<semaphore_mem>>)
    %add3A_22 = arith.constant 800000 : i32
    %add3A_23 = arith.addi %add3A_22, %mul3A_2 : i32
    %add3A_24 = arith.constant 18720 : i32
    %add3A_25 = arith.addi %add3A_23, %add3A_24 : i32
    %dma_start3A_26 = tpu.memref_slice %arg2[%add3A_25] : memref<1600000xi32, #tpu.memory_space<hbm>> -> memref<6280xi32, #tpu.memory_space<hbm>>
    %dma_start3A_27 = tpu.memref_slice %arg2[%add3A_25] : memref<1600000xi32, #tpu.memory_space<hbm>> -> memref<6280xi32, #tpu.memory_space<hbm>>
    tpu.enqueue_dma source(%dma_start3A_27 : memref<6280xi32, #tpu.memory_space<hbm>>) target(%arg12 : memref<6280xi32, #tpu.memory_space<vmem>>) target_semaphore(%arg24 : memref<!tpu.dma_semaphore, #tpu.memory_space<semaphore_mem>>)
    %dma_start3A_28 = tpu.memref_slice %arg2[%mul3A_2] : memref<1600000xi32, #tpu.memory_space<hbm>> -> memref<25000xi32, #tpu.memory_space<hbm>>
    %dma_start3A_29 = tpu.memref_slice %arg2[%mul3A_2] : memref<1600000xi32, #tpu.memory_space<hbm>> -> memref<25000xi32, #tpu.memory_space<hbm>>
    tpu.enqueue_dma source(%dma_start3A_29 : memref<25000xi32, #tpu.memory_space<hbm>>) target(%arg13 : memref<25000xi32, #tpu.memory_space<vmem>>) target_semaphore(%arg24 : memref<!tpu.dma_semaphore, #tpu.memory_space<semaphore_mem>>)
    %dma_start3A_30 = tpu.memref_slice %arg3[%mul3A_2] : memref<800000xf32, #tpu.memory_space<hbm>> -> memref<25000xf32, #tpu.memory_space<hbm>>
    %dma_start3A_31 = tpu.memref_slice %arg3[%mul3A_2] : memref<800000xf32, #tpu.memory_space<hbm>> -> memref<25000xf32, #tpu.memory_space<hbm>>
    tpu.enqueue_dma source(%dma_start3A_31 : memref<25000xf32, #tpu.memory_space<hbm>>) target(%arg14 : memref<25000xf32, #tpu.memory_space<vmem>>) target_semaphore(%arg24 : memref<!tpu.dma_semaphore, #tpu.memory_space<semaphore_mem>>)
    "tpu.region"() ({
      %run_scoped3A_156 = tpu.sem_alloc : memref<!tpu.dma_semaphore, #tpu.memory_space<semaphore_mem>>
      %dma_start3A_157 = tpu.memref_slice %arg30[%mul3A_4] : memref<51200xf32, #tpu.memory_space<vmem_shared>> -> memref<3200xf32, #tpu.memory_space<vmem_shared>>
      %dma_start3A_158 = tpu.memref_slice %arg6[%mul3A_4] : memref<51200xf32, #tpu.memory_space<hbm>> -> memref<3200xf32, #tpu.memory_space<hbm>>
      tpu.enqueue_dma source(%dma_start3A_158 : memref<3200xf32, #tpu.memory_space<hbm>>) target(%dma_start3A_157 : memref<3200xf32, #tpu.memory_space<vmem_shared>>) target_semaphore(%run_scoped3A_156 : memref<!tpu.dma_semaphore, #tpu.memory_space<semaphore_mem>>)
      %dma_wait3A_159 = tpu.memref_slice %arg30[%mul3A_4] : memref<51200xf32, #tpu.memory_space<vmem_shared>> -> memref<3200xf32, #tpu.memory_space<vmem_shared>>
      %dma_wait3A_160 = tpu.memref_slice %arg6[%mul3A_4] : memref<51200xf32, #tpu.memory_space<hbm>> -> memref<3200xf32, #tpu.memory_space<hbm>>
      tpu.wait_dma2 semaphore(%run_scoped3A_156 : memref<!tpu.dma_semaphore, #tpu.memory_space<semaphore_mem>>) src(%dma_wait3A_160 : memref<3200xf32, #tpu.memory_space<hbm>>) dst(%dma_wait3A_159 : memref<3200xf32, #tpu.memory_space<vmem_shared>>)
      tpu.yield
    }) : () -> ()
    %run_scoped3A = arith.constant 0 : i32
    "tpu.region"() ({
      %run_scoped3A_156 = tpu.sem_alloc : memref<!tpu.dma_semaphore, #tpu.memory_space<semaphore_mem>>
      %dma_start3A_157 = tpu.memref_slice %arg4[%run_scoped3A, %mul3A_4] : memref<2x51200xf32, #tpu.memory_space<hbm>> -> memref<1x3200xf32, #tpu.memory_space<hbm>>
      %dma_start3A_158 = tpu.memref_squeeze %dma_start3A_157 : memref<1x3200xf32, #tpu.memory_space<hbm>> -> memref<3200xf32, #tpu.memory_space<hbm>>
      %dma_start3A_159 = tpu.memref_slice %arg4[%run_scoped3A, %mul3A_4] : memref<2x51200xf32, #tpu.memory_space<hbm>> -> memref<1x3200xf32, #tpu.memory_space<hbm>>
      %dma_start3A_160 = tpu.memref_squeeze %dma_start3A_159 : memref<1x3200xf32, #tpu.memory_space<hbm>> -> memref<3200xf32, #tpu.memory_space<hbm>>
      tpu.enqueue_dma source(%dma_start3A_160 : memref<3200xf32, #tpu.memory_space<hbm>>) target(%arg19 : memref<3200xf32, #tpu.memory_space<vmem>>) target_semaphore(%run_scoped3A_156 : memref<!tpu.dma_semaphore, #tpu.memory_space<semaphore_mem>>)
      %dma_wait3A_161 = tpu.memref_slice %arg4[%run_scoped3A, %mul3A_4] : memref<2x51200xf32, #tpu.memory_space<hbm>> -> memref<1x3200xf32, #tpu.memory_space<hbm>>
      %dma_wait3A_162 = tpu.memref_squeeze %dma_wait3A_161 : memref<1x3200xf32, #tpu.memory_space<hbm>> -> memref<3200xf32, #tpu.memory_space<hbm>>
      %dma_wait3A_163 = tpu.memref_slice %arg4[%run_scoped3A, %mul3A_4] : memref<2x51200xf32, #tpu.memory_space<hbm>> -> memref<1x3200xf32, #tpu.memory_space<hbm>>
      %dma_wait3A_164 = tpu.memref_squeeze %dma_wait3A_163 : memref<1x3200xf32, #tpu.memory_space<hbm>> -> memref<3200xf32, #tpu.memory_space<hbm>>
      tpu.wait_dma2 semaphore(%run_scoped3A_156 : memref<!tpu.dma_semaphore, #tpu.memory_space<semaphore_mem>>) src(%dma_wait3A_164 : memref<3200xf32, #tpu.memory_space<hbm>>) dst(%arg19 : memref<3200xf32, #tpu.memory_space<vmem>>)
      tpu.yield
    }) : () -> ()
    %run_scoped3A_32 = arith.constant 1 : i32
    "tpu.region"() ({
      %run_scoped3A_156 = tpu.sem_alloc : memref<!tpu.dma_semaphore, #tpu.memory_space<semaphore_mem>>
      %dma_start3A_157 = tpu.memref_slice %arg4[%run_scoped3A_32, %mul3A_4] : memref<2x51200xf32, #tpu.memory_space<hbm>> -> memref<1x3200xf32, #tpu.memory_space<hbm>>
      %dma_start3A_158 = tpu.memref_squeeze %dma_start3A_157 : memref<1x3200xf32, #tpu.memory_space<hbm>> -> memref<3200xf32, #tpu.memory_space<hbm>>
      %dma_start3A_159 = tpu.memref_slice %arg4[%run_scoped3A_32, %mul3A_4] : memref<2x51200xf32, #tpu.memory_space<hbm>> -> memref<1x3200xf32, #tpu.memory_space<hbm>>
      %dma_start3A_160 = tpu.memref_squeeze %dma_start3A_159 : memref<1x3200xf32, #tpu.memory_space<hbm>> -> memref<3200xf32, #tpu.memory_space<hbm>>
      tpu.enqueue_dma source(%dma_start3A_160 : memref<3200xf32, #tpu.memory_space<hbm>>) target(%arg20 : memref<3200xf32, #tpu.memory_space<vmem>>) target_semaphore(%run_scoped3A_156 : memref<!tpu.dma_semaphore, #tpu.memory_space<semaphore_mem>>)
      %dma_wait3A_161 = tpu.memref_slice %arg4[%run_scoped3A_32, %mul3A_4] : memref<2x51200xf32, #tpu.memory_space<hbm>> -> memref<1x3200xf32, #tpu.memory_space<hbm>>
      %dma_wait3A_162 = tpu.memref_squeeze %dma_wait3A_161 : memref<1x3200xf32, #tpu.memory_space<hbm>> -> memref<3200xf32, #tpu.memory_space<hbm>>
      %dma_wait3A_163 = tpu.memref_slice %arg4[%run_scoped3A_32, %mul3A_4] : memref<2x51200xf32, #tpu.memory_space<hbm>> -> memref<1x3200xf32, #tpu.memory_space<hbm>>
      %dma_wait3A_164 = tpu.memref_squeeze %dma_wait3A_163 : memref<1x3200xf32, #tpu.memory_space<hbm>> -> memref<3200xf32, #tpu.memory_space<hbm>>
      tpu.wait_dma2 semaphore(%run_scoped3A_156 : memref<!tpu.dma_semaphore, #tpu.memory_space<semaphore_mem>>) src(%dma_wait3A_164 : memref<3200xf32, #tpu.memory_space<hbm>>) dst(%arg20 : memref<3200xf32, #tpu.memory_space<vmem>>)
      tpu.yield
    }) : () -> ()
    "tpu.region"() ({
      %run_scoped3A_156 = tpu.sem_alloc : memref<!tpu.dma_semaphore, #tpu.memory_space<semaphore_mem>>
      %dma_start3A_157 = tpu.memref_slice %arg5[%mul3A_4] : memref<51200xf32, #tpu.memory_space<hbm>> -> memref<3200xf32, #tpu.memory_space<hbm>>
      %dma_start3A_158 = tpu.memref_slice %arg5[%mul3A_4] : memref<51200xf32, #tpu.memory_space<hbm>> -> memref<3200xf32, #tpu.memory_space<hbm>>
      tpu.enqueue_dma source(%dma_start3A_158 : memref<3200xf32, #tpu.memory_space<hbm>>) target(%arg21 : memref<3200xf32, #tpu.memory_space<vmem>>) target_semaphore(%run_scoped3A_156 : memref<!tpu.dma_semaphore, #tpu.memory_space<semaphore_mem>>)
      %dma_wait3A_159 = tpu.memref_slice %arg5[%mul3A_4] : memref<51200xf32, #tpu.memory_space<hbm>> -> memref<3200xf32, #tpu.memory_space<hbm>>
      %dma_wait3A_160 = tpu.memref_slice %arg5[%mul3A_4] : memref<51200xf32, #tpu.memory_space<hbm>> -> memref<3200xf32, #tpu.memory_space<hbm>>
      tpu.wait_dma2 semaphore(%run_scoped3A_156 : memref<!tpu.dma_semaphore, #tpu.memory_space<semaphore_mem>>) src(%dma_wait3A_160 : memref<3200xf32, #tpu.memory_space<hbm>>) dst(%arg21 : memref<3200xf32, #tpu.memory_space<vmem>>)
      tpu.yield
    }) : () -> ()
    %scan3A = arith.constant 0 : i32
    %scan3A_33 = arith.constant 0 : i32
    %scan3A_34 = arith.constant 200 : i32
    %scan3A_35 = arith.addi %scan3A_33, %scan3A_34 : i32
    %scan3A_36 = arith.constant 1 : i32
    scf.for %scan3A_156 = %scan3A_33 to %scan3A_35 step %scan3A_36  : i32 {
      %mul3A_157 = arith.constant 16 : i32
      %mul3A_158 = arith.muli %scan3A_156, %mul3A_157 : i32
      %get3A = arith.index_cast %mul3A_158 : i32 to index
      %get3A_159 = tpu.vector_load %arg19[%get3A] {strides = array<i32>} : memref<3200xf32, #tpu.memory_space<vmem>>, vector<16xf32>,
      %get3A_160 = vector.shape_cast %get3A_159 : vector<16xf32> to vector<16xf32>
      %get3A_161 = arith.index_cast %mul3A_158 : i32 to index
      %get3A_162 = tpu.vector_load %arg20[%get3A_161] {strides = array<i32>} : memref<3200xf32, #tpu.memory_space<vmem>>, vector<16xf32>,
      %get3A_163 = vector.shape_cast %get3A_162 : vector<16xf32> to vector<16xf32>
      %add3A_164 = arith.addf %get3A_160, %get3A_163 : vector<16xf32>
      %add3A_165 = arith.constant 1.000000e+00 : f32
      %add3A_166 = vector.broadcast %add3A_165 : f32 to vector<16xf32>
      %add3A_167 = arith.addf %add3A_164, %add3A_166 : vector<16xf32>
      %bitcast_convert_type3A = tpu.bitcast %add3A_167 : vector<16xf32> -> vector<16xi32>
      %broadcast_in_dim3A = arith.constant 1597463007 : i32
      %broadcast_in_dim3A_168 = vector.broadcast %broadcast_in_dim3A : i32 to vector<16xi32>
      %shift_right_arithmetic3A = arith.constant 1 : i32
      %shift_right_arithmetic3A_169 = vector.broadcast %shift_right_arithmetic3A : i32 to vector<16xi32>
      %shift_right_arithmetic3A_170 = arith.shrsi %bitcast_convert_type3A, %shift_right_arithmetic3A_169 : vector<16xi32>
      %sub3A = arith.subi %broadcast_in_dim3A_168, %shift_right_arithmetic3A_170 : vector<16xi32>
      %bitcast_convert_type3A_171 = tpu.bitcast %sub3A : vector<16xi32> -> vector<16xf32>
      %mul3A_172 = arith.constant 5.000000e-01 : f32
      %mul3A_173 = vector.broadcast %mul3A_172 : f32 to vector<16xf32>
      %mul3A_174 = arith.mulf %mul3A_173, %add3A_167 : vector<16xf32>
      %mul3A_175 = arith.mulf %mul3A_174, %bitcast_convert_type3A_171 : vector<16xf32>
      %mul3A_176 = arith.mulf %mul3A_175, %bitcast_convert_type3A_171 : vector<16xf32>
      %sub3A_177 = arith.constant 1.500000e+00 : f32
      %sub3A_178 = vector.broadcast %sub3A_177 : f32 to vector<16xf32>
      %sub3A_179 = arith.subf %sub3A_178, %mul3A_176 : vector<16xf32>
      %mul3A_180 = arith.mulf %bitcast_convert_type3A_171, %sub3A_179 : vector<16xf32>
      %mul3A_181 = arith.constant 5.000000e-01 : f32
      %mul3A_182 = vector.broadcast %mul3A_181 : f32 to vector<16xf32>
      %mul3A_183 = arith.mulf %mul3A_182, %add3A_167 : vector<16xf32>
      %mul3A_184 = arith.mulf %mul3A_183, %mul3A_180 : vector<16xf32>
      %mul3A_185 = arith.mulf %mul3A_184, %mul3A_180 : vector<16xf32>
      %sub3A_186 = arith.constant 1.500000e+00 : f32
      %sub3A_187 = vector.broadcast %sub3A_186 : f32 to vector<16xf32>
      %sub3A_188 = arith.subf %sub3A_187, %mul3A_185 : vector<16xf32>
      %mul3A_189 = arith.mulf %mul3A_180, %sub3A_188 : vector<16xf32>
      %mul3A_190 = arith.constant 5.000000e-01 : f32
      %mul3A_191 = vector.broadcast %mul3A_190 : f32 to vector<16xf32>
      %mul3A_192 = arith.mulf %mul3A_191, %add3A_167 : vector<16xf32>
      %mul3A_193 = arith.mulf %mul3A_192, %mul3A_189 : vector<16xf32>
      %mul3A_194 = arith.mulf %mul3A_193, %mul3A_189 : vector<16xf32>
      %sub3A_195 = arith.constant 1.500000e+00 : f32
      %sub3A_196 = vector.broadcast %sub3A_195 : f32 to vector<16xf32>
      %sub3A_197 = arith.subf %sub3A_196, %mul3A_194 : vector<16xf32>
      %mul3A_198 = arith.mulf %mul3A_189, %sub3A_197 : vector<16xf32>
      %swap3A = arith.index_cast %mul3A_158 : i32 to index
      %swap3A_199 = tpu.vector_load %arg23[%swap3A] {strides = array<i32>} : memref<3200xf32, #tpu.memory_space<vmem>>, vector<16xf32>,
      %swap3A_200 = vector.shape_cast %swap3A_199 : vector<16xf32> to vector<16xf32>
      %swap3A_201 = vector.shape_cast %mul3A_198 : vector<16xf32> to vector<16xf32>
      tpu.vector_store %arg23[%swap3A], %swap3A_201 {strides = array<i32>} : memref<3200xf32, #tpu.memory_space<vmem>>, vector<16xf32>,
      %get3A_202 = arith.index_cast %mul3A_158 : i32 to index
      %get3A_203 = tpu.vector_load %arg21[%get3A_202] {strides = array<i32>} : memref<3200xf32, #tpu.memory_space<vmem>>, vector<16xf32>,
      %get3A_204 = vector.shape_cast %get3A_203 : vector<16xf32> to vector<16xf32>
      %mul3A_205 = arith.mulf %mul3A_198, %get3A_204 : vector<16xf32>
      %swap3A_206 = arith.index_cast %mul3A_158 : i32 to index
      %swap3A_207 = tpu.vector_load %arg22[%swap3A_206] {strides = array<i32>} : memref<3200xf32, #tpu.memory_space<vmem>>, vector<16xf32>,
      %swap3A_208 = vector.shape_cast %swap3A_207 : vector<16xf32> to vector<16xf32>
      %swap3A_209 = vector.shape_cast %mul3A_205 : vector<16xf32> to vector<16xf32>
      tpu.vector_store %arg22[%swap3A_206], %swap3A_209 {strides = array<i32>} : memref<3200xf32, #tpu.memory_space<vmem>>, vector<16xf32>,
    }
    %scan3A_37 = arith.constant 200 : i32
    "tpu.region"() ({
      %run_scoped3A_156 = tpu.sem_alloc : memref<!tpu.dma_semaphore, #tpu.memory_space<semaphore_mem>>
      %dma_start3A_157 = tpu.memref_slice %arg29[%mul3A_4] : memref<51200xf32, #tpu.memory_space<vmem_shared>> -> memref<3200xf32, #tpu.memory_space<vmem_shared>>
      %dma_start3A_158 = tpu.memref_slice %arg29[%mul3A_4] : memref<51200xf32, #tpu.memory_space<vmem_shared>> -> memref<3200xf32, #tpu.memory_space<vmem_shared>>
      tpu.enqueue_dma source(%arg22 : memref<3200xf32, #tpu.memory_space<vmem>>) target(%dma_start3A_158 : memref<3200xf32, #tpu.memory_space<vmem_shared>>) target_semaphore(%run_scoped3A_156 : memref<!tpu.dma_semaphore, #tpu.memory_space<semaphore_mem>>)
      %dma_wait3A_159 = tpu.memref_slice %arg29[%mul3A_4] : memref<51200xf32, #tpu.memory_space<vmem_shared>> -> memref<3200xf32, #tpu.memory_space<vmem_shared>>
      %dma_wait3A_160 = tpu.memref_slice %arg29[%mul3A_4] : memref<51200xf32, #tpu.memory_space<vmem_shared>> -> memref<3200xf32, #tpu.memory_space<vmem_shared>>
      tpu.wait_dma2 semaphore(%run_scoped3A_156 : memref<!tpu.dma_semaphore, #tpu.memory_space<semaphore_mem>>) src(%arg22 : memref<3200xf32, #tpu.memory_space<vmem>>) dst(%dma_wait3A_160 : memref<3200xf32, #tpu.memory_space<vmem_shared>>)
      tpu.yield
    }) : () -> ()
    %eq3A = arith.constant 0 : i32
    %eq3A_38 = arith.cmpi eq, %arg0, %eq3A : i32
    %convert_element_type3A = arith.extui %eq3A_38 : i1 to i32
    %cond3A = arith.constant 0 : i32
    %cond3A_39 = arith.cmpi ne, %convert_element_type3A, %cond3A : i32
    scf.if %cond3A_39 {
      "tpu.region"() ({
        %run_scoped3A_156 = tpu.sem_alloc : memref<!tpu.dma_semaphore, #tpu.memory_space<semaphore_mem>>
        %dma_start3A_157 = tpu.memref_slice %arg8[%mul3A_4] : memref<51200xf32, #tpu.memory_space<hbm>> -> memref<3200xf32, #tpu.memory_space<hbm>>
        %dma_start3A_158 = tpu.memref_slice %arg8[%mul3A_4] : memref<51200xf32, #tpu.memory_space<hbm>> -> memref<3200xf32, #tpu.memory_space<hbm>>
        tpu.enqueue_dma source(%arg23 : memref<3200xf32, #tpu.memory_space<vmem>>) target(%dma_start3A_158 : memref<3200xf32, #tpu.memory_space<hbm>>) target_semaphore(%run_scoped3A_156 : memref<!tpu.dma_semaphore, #tpu.memory_space<semaphore_mem>>)
        %dma_wait3A_159 = tpu.memref_slice %arg8[%mul3A_4] : memref<51200xf32, #tpu.memory_space<hbm>> -> memref<3200xf32, #tpu.memory_space<hbm>>
        %dma_wait3A_160 = tpu.memref_slice %arg8[%mul3A_4] : memref<51200xf32, #tpu.memory_space<hbm>> -> memref<3200xf32, #tpu.memory_space<hbm>>
        tpu.wait_dma2 semaphore(%run_scoped3A_156 : memref<!tpu.dma_semaphore, #tpu.memory_space<semaphore_mem>>) src(%arg23 : memref<3200xf32, #tpu.memory_space<vmem>>) dst(%dma_wait3A_160 : memref<3200xf32, #tpu.memory_space<hbm>>)
        tpu.yield
      }) : () -> ()
    } else {
    }
    %barrier3A = arith.constant 0 : index
    tpu.barrier barrier_id(%barrier3A)
    %dma_wait3A = tpu.memref_slice %arg2[%add3A_8] : memref<1600000xi32, #tpu.memory_space<hbm>> -> memref<6240xi32, #tpu.memory_space<hbm>>
    %dma_wait3A_40 = tpu.memref_slice %arg2[%add3A_8] : memref<1600000xi32, #tpu.memory_space<hbm>> -> memref<6240xi32, #tpu.memory_space<hbm>>
    tpu.wait_dma2 semaphore(%arg24 : memref<!tpu.dma_semaphore, #tpu.memory_space<semaphore_mem>>) src(%dma_wait3A_40 : memref<6240xi32, #tpu.memory_space<hbm>>) dst(%arg9 : memref<6240xi32, #tpu.memory_space<vmem>>)
    %dma_wait3A_41 = tpu.memref_slice %arg2[%add3A_13] : memref<1600000xi32, #tpu.memory_space<hbm>> -> memref<6240xi32, #tpu.memory_space<hbm>>
    %dma_wait3A_42 = tpu.memref_slice %arg2[%add3A_13] : memref<1600000xi32, #tpu.memory_space<hbm>> -> memref<6240xi32, #tpu.memory_space<hbm>>
    tpu.wait_dma2 semaphore(%arg24 : memref<!tpu.dma_semaphore, #tpu.memory_space<semaphore_mem>>) src(%dma_wait3A_42 : memref<6240xi32, #tpu.memory_space<hbm>>) dst(%arg10 : memref<6240xi32, #tpu.memory_space<vmem>>)
    %dma_wait3A_43 = tpu.memref_slice %arg2[%add3A_19] : memref<1600000xi32, #tpu.memory_space<hbm>> -> memref<6240xi32, #tpu.memory_space<hbm>>
    %dma_wait3A_44 = tpu.memref_slice %arg2[%add3A_19] : memref<1600000xi32, #tpu.memory_space<hbm>> -> memref<6240xi32, #tpu.memory_space<hbm>>
    tpu.wait_dma2 semaphore(%arg24 : memref<!tpu.dma_semaphore, #tpu.memory_space<semaphore_mem>>) src(%dma_wait3A_44 : memref<6240xi32, #tpu.memory_space<hbm>>) dst(%arg11 : memref<6240xi32, #tpu.memory_space<vmem>>)
    %dma_wait3A_45 = tpu.memref_slice %arg2[%add3A_25] : memref<1600000xi32, #tpu.memory_space<hbm>> -> memref<6280xi32, #tpu.memory_space<hbm>>
    %dma_wait3A_46 = tpu.memref_slice %arg2[%add3A_25] : memref<1600000xi32, #tpu.memory_space<hbm>> -> memref<6280xi32, #tpu.memory_space<hbm>>
    tpu.wait_dma2 semaphore(%arg24 : memref<!tpu.dma_semaphore, #tpu.memory_space<semaphore_mem>>) src(%dma_wait3A_46 : memref<6280xi32, #tpu.memory_space<hbm>>) dst(%arg12 : memref<6280xi32, #tpu.memory_space<vmem>>)
    %dma_wait3A_47 = tpu.memref_slice %arg2[%mul3A_2] : memref<1600000xi32, #tpu.memory_space<hbm>> -> memref<25000xi32, #tpu.memory_space<hbm>>
    %dma_wait3A_48 = tpu.memref_slice %arg2[%mul3A_2] : memref<1600000xi32, #tpu.memory_space<hbm>> -> memref<25000xi32, #tpu.memory_space<hbm>>
    tpu.wait_dma2 semaphore(%arg24 : memref<!tpu.dma_semaphore, #tpu.memory_space<semaphore_mem>>) src(%dma_wait3A_48 : memref<25000xi32, #tpu.memory_space<hbm>>) dst(%arg13 : memref<25000xi32, #tpu.memory_space<vmem>>)
    %dma_wait3A_49 = tpu.memref_slice %arg3[%mul3A_2] : memref<800000xf32, #tpu.memory_space<hbm>> -> memref<25000xf32, #tpu.memory_space<hbm>>
    %dma_wait3A_50 = tpu.memref_slice %arg3[%mul3A_2] : memref<800000xf32, #tpu.memory_space<hbm>> -> memref<25000xf32, #tpu.memory_space<hbm>>
    tpu.wait_dma2 semaphore(%arg24 : memref<!tpu.dma_semaphore, #tpu.memory_space<semaphore_mem>>) src(%dma_wait3A_50 : memref<25000xf32, #tpu.memory_space<hbm>>) dst(%arg14 : memref<25000xf32, #tpu.memory_space<vmem>>)
    %dma_start3A_51 = arith.constant 0 : i32
    %dma_start3A_52 = tpu.memref_slice %arg15[%dma_start3A_51] : memref<6288xf32, #tpu.memory_space<vmem>> -> memref<6240xf32, #tpu.memory_space<vmem>>
    %dma_start3A_53 = arith.constant 0 : i32
    %dma_start3A_54 = tpu.memref_slice %arg13[%dma_start3A_53] : memref<25000xi32, #tpu.memory_space<vmem>> -> memref<6240xi32, #tpu.memory_space<vmem>>
    %dma_start3A_55 = arith.constant 0 : i32
    %dma_start3A_56 = tpu.memref_slice %arg29[%dma_start3A_55] : memref<51200xf32, #tpu.memory_space<vmem_shared>> -> memref<51200xf32, #tpu.memory_space<vmem_shared>>
    tpu.enqueue_indirect_dma source(%dma_start3A_56 : memref<51200xf32, #tpu.memory_space<vmem_shared>>) target(%dma_start3A_52 : memref<6240xf32, #tpu.memory_space<vmem>>) offsets(%dma_start3A_54 : memref<6240xi32, #tpu.memory_space<vmem>>) semaphore(%arg25 : memref<!tpu.dma_semaphore, #tpu.memory_space<semaphore_mem>>)
    %dma_start3A_57 = arith.constant 0 : i32
    %dma_start3A_58 = tpu.memref_slice %arg16[%dma_start3A_57] : memref<6288xf32, #tpu.memory_space<vmem>> -> memref<6240xf32, #tpu.memory_space<vmem>>
    %dma_start3A_59 = arith.constant 6240 : i32
    %dma_start3A_60 = tpu.memref_slice %arg13[%dma_start3A_59] : memref<25000xi32, #tpu.memory_space<vmem>> -> memref<6240xi32, #tpu.memory_space<vmem>>
    %dma_start3A_61 = arith.constant 0 : i32
    %dma_start3A_62 = tpu.memref_slice %arg29[%dma_start3A_61] : memref<51200xf32, #tpu.memory_space<vmem_shared>> -> memref<51200xf32, #tpu.memory_space<vmem_shared>>
    tpu.enqueue_indirect_dma source(%dma_start3A_62 : memref<51200xf32, #tpu.memory_space<vmem_shared>>) target(%dma_start3A_58 : memref<6240xf32, #tpu.memory_space<vmem>>) offsets(%dma_start3A_60 : memref<6240xi32, #tpu.memory_space<vmem>>) semaphore(%arg26 : memref<!tpu.dma_semaphore, #tpu.memory_space<semaphore_mem>>)
    %dma_wait3A_63 = arith.constant 0 : i32
    %dma_wait3A_64 = tpu.memref_slice %arg15[%dma_wait3A_63] : memref<6288xf32, #tpu.memory_space<vmem>> -> memref<6240xf32, #tpu.memory_space<vmem>>
    %dma_wait3A_65 = arith.constant 0 : i32
    %dma_wait3A_66 = tpu.memref_slice %arg13[%dma_wait3A_65] : memref<25000xi32, #tpu.memory_space<vmem>> -> memref<6240xi32, #tpu.memory_space<vmem>>
    %dma_wait3A_67 = arith.constant 0 : i32
    %dma_wait3A_68 = tpu.memref_slice %arg29[%dma_wait3A_67] : memref<51200xf32, #tpu.memory_space<vmem_shared>> -> memref<51200xf32, #tpu.memory_space<vmem_shared>>
    tpu.wait_indirect_dma semaphore(%arg25 : memref<!tpu.dma_semaphore, #tpu.memory_space<semaphore_mem>>) src(%dma_wait3A_68 : memref<51200xf32, #tpu.memory_space<vmem_shared>>) dst(%dma_wait3A_64 : memref<6240xf32, #tpu.memory_space<vmem>>)
    %scan3A_69 = arith.constant 0 : i32
    %scan3A_70 = arith.constant 0 : i32
    %scan3A_71 = arith.constant 390 : i32
    %scan3A_72 = arith.addi %scan3A_70, %scan3A_71 : i32
    %scan3A_73 = arith.constant 1 : i32
    scf.for %scan3A_156 = %scan3A_70 to %scan3A_72 step %scan3A_73  : i32 {
      %mul3A_157 = arith.constant 16 : i32
      %mul3A_158 = arith.muli %scan3A_156, %mul3A_157 : i32
      %mul3A_159 = arith.constant 16 : i32
      %mul3A_160 = arith.muli %scan3A_156, %mul3A_159 : i32
      %add3A_161 = arith.constant 0 : i32
      %add3A_162 = arith.addi %add3A_161, %mul3A_160 : i32
      %get3A = arith.index_cast %add3A_162 : i32 to index
      %get3A_163 = tpu.vector_load %arg14[%get3A] {strides = array<i32>} : memref<25000xf32, #tpu.memory_space<vmem>>, vector<16xf32>,
      %get3A_164 = vector.shape_cast %get3A_163 : vector<16xf32> to vector<16xf32>
      %get3A_165 = arith.index_cast %mul3A_158 : i32 to index
      %get3A_166 = tpu.vector_load %arg15[%get3A_165] {strides = array<i32>} : memref<6288xf32, #tpu.memory_space<vmem>>, vector<16xf32>,
      %get3A_167 = vector.shape_cast %get3A_166 : vector<16xf32> to vector<16xf32>
      %mul3A_168 = arith.mulf %get3A_164, %get3A_167 : vector<16xf32>
      %swap3A = arith.index_cast %mul3A_158 : i32 to index
      %swap3A_169 = tpu.vector_load %arg17[%swap3A] {strides = array<i32>} : memref<6288xf32, #tpu.memory_space<vmem>>, vector<16xf32>,
      %swap3A_170 = vector.shape_cast %swap3A_169 : vector<16xf32> to vector<16xf32>
      %swap3A_171 = vector.shape_cast %mul3A_168 : vector<16xf32> to vector<16xf32>
      tpu.vector_store %arg17[%swap3A], %swap3A_171 {strides = array<i32>} : memref<6288xf32, #tpu.memory_space<vmem>>, vector<16xf32>,
    }
    %scan3A_74 = arith.constant 390 : i32
    %dma_start3A_75 = arith.constant 0 : i32
    %dma_start3A_76 = tpu.memref_slice %arg17[%dma_start3A_75] : memref<6288xf32, #tpu.memory_space<vmem>> -> memref<6240xf32, #tpu.memory_space<vmem>>
    %dma_start3A_77 = arith.constant 0 : i32
    %dma_start3A_78 = tpu.memref_slice %arg30[%dma_start3A_77] : memref<51200xf32, #tpu.memory_space<vmem_shared>> -> memref<51200xf32, #tpu.memory_space<vmem_shared>>
    tpu.enqueue_indirect_dma source(%dma_start3A_76 : memref<6240xf32, #tpu.memory_space<vmem>>) target(%dma_start3A_78 : memref<51200xf32, #tpu.memory_space<vmem_shared>>) offsets(%arg9 : memref<6240xi32, #tpu.memory_space<vmem>>) semaphore(%arg27 : memref<!tpu.dma_semaphore, #tpu.memory_space<semaphore_mem>>) {add = true}
    %dma_start3A_79 = arith.constant 0 : i32
    %dma_start3A_80 = tpu.memref_slice %arg15[%dma_start3A_79] : memref<6288xf32, #tpu.memory_space<vmem>> -> memref<6240xf32, #tpu.memory_space<vmem>>
    %dma_start3A_81 = arith.constant 12480 : i32
    %dma_start3A_82 = tpu.memref_slice %arg13[%dma_start3A_81] : memref<25000xi32, #tpu.memory_space<vmem>> -> memref<6240xi32, #tpu.memory_space<vmem>>
    %dma_start3A_83 = arith.constant 0 : i32
    %dma_start3A_84 = tpu.memref_slice %arg29[%dma_start3A_83] : memref<51200xf32, #tpu.memory_space<vmem_shared>> -> memref<51200xf32, #tpu.memory_space<vmem_shared>>
    tpu.enqueue_indirect_dma source(%dma_start3A_84 : memref<51200xf32, #tpu.memory_space<vmem_shared>>) target(%dma_start3A_80 : memref<6240xf32, #tpu.memory_space<vmem>>) offsets(%dma_start3A_82 : memref<6240xi32, #tpu.memory_space<vmem>>) semaphore(%arg25 : memref<!tpu.dma_semaphore, #tpu.memory_space<semaphore_mem>>)
    %dma_wait3A_85 = arith.constant 0 : i32
    %dma_wait3A_86 = tpu.memref_slice %arg16[%dma_wait3A_85] : memref<6288xf32, #tpu.memory_space<vmem>> -> memref<6240xf32, #tpu.memory_space<vmem>>
    %dma_wait3A_87 = arith.constant 6240 : i32
    %dma_wait3A_88 = tpu.memref_slice %arg13[%dma_wait3A_87] : memref<25000xi32, #tpu.memory_space<vmem>> -> memref<6240xi32, #tpu.memory_space<vmem>>
    %dma_wait3A_89 = arith.constant 0 : i32
    %dma_wait3A_90 = tpu.memref_slice %arg29[%dma_wait3A_89] : memref<51200xf32, #tpu.memory_space<vmem_shared>> -> memref<51200xf32, #tpu.memory_space<vmem_shared>>
    tpu.wait_indirect_dma semaphore(%arg26 : memref<!tpu.dma_semaphore, #tpu.memory_space<semaphore_mem>>) src(%dma_wait3A_90 : memref<51200xf32, #tpu.memory_space<vmem_shared>>) dst(%dma_wait3A_86 : memref<6240xf32, #tpu.memory_space<vmem>>)
    %scan3A_91 = arith.constant 0 : i32
    %scan3A_92 = arith.constant 0 : i32
    %scan3A_93 = arith.constant 390 : i32
    %scan3A_94 = arith.addi %scan3A_92, %scan3A_93 : i32
    %scan3A_95 = arith.constant 1 : i32
    scf.for %scan3A_156 = %scan3A_92 to %scan3A_94 step %scan3A_95  : i32 {
      %mul3A_157 = arith.constant 16 : i32
      %mul3A_158 = arith.muli %scan3A_156, %mul3A_157 : i32
      %mul3A_159 = arith.constant 16 : i32
      %mul3A_160 = arith.muli %scan3A_156, %mul3A_159 : i32
      %add3A_161 = arith.constant 6240 : i32
      %add3A_162 = arith.addi %add3A_161, %mul3A_160 : i32
      %get3A = arith.index_cast %add3A_162 : i32 to index
      %get3A_163 = tpu.vector_load %arg14[%get3A] {strides = array<i32>} : memref<25000xf32, #tpu.memory_space<vmem>>, vector<16xf32>,
      %get3A_164 = vector.shape_cast %get3A_163 : vector<16xf32> to vector<16xf32>
      %get3A_165 = arith.index_cast %mul3A_158 : i32 to index
      %get3A_166 = tpu.vector_load %arg16[%get3A_165] {strides = array<i32>} : memref<6288xf32, #tpu.memory_space<vmem>>, vector<16xf32>,
      %get3A_167 = vector.shape_cast %get3A_166 : vector<16xf32> to vector<16xf32>
      %mul3A_168 = arith.mulf %get3A_164, %get3A_167 : vector<16xf32>
      %swap3A = arith.index_cast %mul3A_158 : i32 to index
      %swap3A_169 = tpu.vector_load %arg18[%swap3A] {strides = array<i32>} : memref<6288xf32, #tpu.memory_space<vmem>>, vector<16xf32>,
      %swap3A_170 = vector.shape_cast %swap3A_169 : vector<16xf32> to vector<16xf32>
      %swap3A_171 = vector.shape_cast %mul3A_168 : vector<16xf32> to vector<16xf32>
      tpu.vector_store %arg18[%swap3A], %swap3A_171 {strides = array<i32>} : memref<6288xf32, #tpu.memory_space<vmem>>, vector<16xf32>,
    }
    %scan3A_96 = arith.constant 390 : i32
    %dma_start3A_97 = arith.constant 0 : i32
    %dma_start3A_98 = tpu.memref_slice %arg18[%dma_start3A_97] : memref<6288xf32, #tpu.memory_space<vmem>> -> memref<6240xf32, #tpu.memory_space<vmem>>
    %dma_start3A_99 = arith.constant 0 : i32
    %dma_start3A_100 = tpu.memref_slice %arg30[%dma_start3A_99] : memref<51200xf32, #tpu.memory_space<vmem_shared>> -> memref<51200xf32, #tpu.memory_space<vmem_shared>>
    tpu.enqueue_indirect_dma source(%dma_start3A_98 : memref<6240xf32, #tpu.memory_space<vmem>>) target(%dma_start3A_100 : memref<51200xf32, #tpu.memory_space<vmem_shared>>) offsets(%arg10 : memref<6240xi32, #tpu.memory_space<vmem>>) semaphore(%arg28 : memref<!tpu.dma_semaphore, #tpu.memory_space<semaphore_mem>>) {add = true}
    %dma_start3A_101 = arith.constant 0 : i32
    %dma_start3A_102 = tpu.memref_slice %arg16[%dma_start3A_101] : memref<6288xf32, #tpu.memory_space<vmem>> -> memref<6280xf32, #tpu.memory_space<vmem>>
    %dma_start3A_103 = arith.constant 18720 : i32
    %dma_start3A_104 = tpu.memref_slice %arg13[%dma_start3A_103] : memref<25000xi32, #tpu.memory_space<vmem>> -> memref<6280xi32, #tpu.memory_space<vmem>>
    %dma_start3A_105 = arith.constant 0 : i32
    %dma_start3A_106 = tpu.memref_slice %arg29[%dma_start3A_105] : memref<51200xf32, #tpu.memory_space<vmem_shared>> -> memref<51200xf32, #tpu.memory_space<vmem_shared>>
    tpu.enqueue_indirect_dma source(%dma_start3A_106 : memref<51200xf32, #tpu.memory_space<vmem_shared>>) target(%dma_start3A_102 : memref<6280xf32, #tpu.memory_space<vmem>>) offsets(%dma_start3A_104 : memref<6280xi32, #tpu.memory_space<vmem>>) semaphore(%arg26 : memref<!tpu.dma_semaphore, #tpu.memory_space<semaphore_mem>>)
    %dma_wait3A_107 = arith.constant 0 : i32
    %dma_wait3A_108 = tpu.memref_slice %arg15[%dma_wait3A_107] : memref<6288xf32, #tpu.memory_space<vmem>> -> memref<6240xf32, #tpu.memory_space<vmem>>
    %dma_wait3A_109 = arith.constant 12480 : i32
    %dma_wait3A_110 = tpu.memref_slice %arg13[%dma_wait3A_109] : memref<25000xi32, #tpu.memory_space<vmem>> -> memref<6240xi32, #tpu.memory_space<vmem>>
    %dma_wait3A_111 = arith.constant 0 : i32
    %dma_wait3A_112 = tpu.memref_slice %arg29[%dma_wait3A_111] : memref<51200xf32, #tpu.memory_space<vmem_shared>> -> memref<51200xf32, #tpu.memory_space<vmem_shared>>
    tpu.wait_indirect_dma semaphore(%arg25 : memref<!tpu.dma_semaphore, #tpu.memory_space<semaphore_mem>>) src(%dma_wait3A_112 : memref<51200xf32, #tpu.memory_space<vmem_shared>>) dst(%dma_wait3A_108 : memref<6240xf32, #tpu.memory_space<vmem>>)
    %dma_wait3A_113 = arith.constant 0 : i32
    %dma_wait3A_114 = tpu.memref_slice %arg17[%dma_wait3A_113] : memref<6288xf32, #tpu.memory_space<vmem>> -> memref<6240xf32, #tpu.memory_space<vmem>>
    %dma_wait3A_115 = arith.constant 0 : i32
    %dma_wait3A_116 = tpu.memref_slice %arg30[%dma_wait3A_115] : memref<51200xf32, #tpu.memory_space<vmem_shared>> -> memref<51200xf32, #tpu.memory_space<vmem_shared>>
    tpu.wait_indirect_dma semaphore(%arg27 : memref<!tpu.dma_semaphore, #tpu.memory_space<semaphore_mem>>) src(%dma_wait3A_114 : memref<6240xf32, #tpu.memory_space<vmem>>) dst(%dma_wait3A_116 : memref<51200xf32, #tpu.memory_space<vmem_shared>>)
    %scan3A_117 = arith.constant 0 : i32
    %scan3A_118 = arith.constant 0 : i32
    %scan3A_119 = arith.constant 390 : i32
    %scan3A_120 = arith.addi %scan3A_118, %scan3A_119 : i32
    %scan3A_121 = arith.constant 1 : i32
    scf.for %scan3A_156 = %scan3A_118 to %scan3A_120 step %scan3A_121  : i32 {
      %mul3A_157 = arith.constant 16 : i32
      %mul3A_158 = arith.muli %scan3A_156, %mul3A_157 : i32
      %mul3A_159 = arith.constant 16 : i32
      %mul3A_160 = arith.muli %scan3A_156, %mul3A_159 : i32
      %add3A_161 = arith.constant 12480 : i32
      %add3A_162 = arith.addi %add3A_161, %mul3A_160 : i32
      %get3A = arith.index_cast %add3A_162 : i32 to index
      %get3A_163 = tpu.vector_load %arg14[%get3A] {strides = array<i32>} : memref<25000xf32, #tpu.memory_space<vmem>>, vector<16xf32>,
      %get3A_164 = vector.shape_cast %get3A_163 : vector<16xf32> to vector<16xf32>
      %get3A_165 = arith.index_cast %mul3A_158 : i32 to index
      %get3A_166 = tpu.vector_load %arg15[%get3A_165] {strides = array<i32>} : memref<6288xf32, #tpu.memory_space<vmem>>, vector<16xf32>,
      %get3A_167 = vector.shape_cast %get3A_166 : vector<16xf32> to vector<16xf32>
      %mul3A_168 = arith.mulf %get3A_164, %get3A_167 : vector<16xf32>
      %swap3A = arith.index_cast %mul3A_158 : i32 to index
      %swap3A_169 = tpu.vector_load %arg17[%swap3A] {strides = array<i32>} : memref<6288xf32, #tpu.memory_space<vmem>>, vector<16xf32>,
      %swap3A_170 = vector.shape_cast %swap3A_169 : vector<16xf32> to vector<16xf32>
      %swap3A_171 = vector.shape_cast %mul3A_168 : vector<16xf32> to vector<16xf32>
      tpu.vector_store %arg17[%swap3A], %swap3A_171 {strides = array<i32>} : memref<6288xf32, #tpu.memory_space<vmem>>, vector<16xf32>,
    }
    %scan3A_122 = arith.constant 390 : i32
    %dma_start3A_123 = arith.constant 0 : i32
    %dma_start3A_124 = tpu.memref_slice %arg17[%dma_start3A_123] : memref<6288xf32, #tpu.memory_space<vmem>> -> memref<6240xf32, #tpu.memory_space<vmem>>
    %dma_start3A_125 = arith.constant 0 : i32
    %dma_start3A_126 = tpu.memref_slice %arg30[%dma_start3A_125] : memref<51200xf32, #tpu.memory_space<vmem_shared>> -> memref<51200xf32, #tpu.memory_space<vmem_shared>>
    tpu.enqueue_indirect_dma source(%dma_start3A_124 : memref<6240xf32, #tpu.memory_space<vmem>>) target(%dma_start3A_126 : memref<51200xf32, #tpu.memory_space<vmem_shared>>) offsets(%arg11 : memref<6240xi32, #tpu.memory_space<vmem>>) semaphore(%arg27 : memref<!tpu.dma_semaphore, #tpu.memory_space<semaphore_mem>>) {add = true}
    %dma_wait3A_127 = arith.constant 0 : i32
    %dma_wait3A_128 = tpu.memref_slice %arg16[%dma_wait3A_127] : memref<6288xf32, #tpu.memory_space<vmem>> -> memref<6280xf32, #tpu.memory_space<vmem>>
    %dma_wait3A_129 = arith.constant 18720 : i32
    %dma_wait3A_130 = tpu.memref_slice %arg13[%dma_wait3A_129] : memref<25000xi32, #tpu.memory_space<vmem>> -> memref<6280xi32, #tpu.memory_space<vmem>>
    %dma_wait3A_131 = arith.constant 0 : i32
    %dma_wait3A_132 = tpu.memref_slice %arg29[%dma_wait3A_131] : memref<51200xf32, #tpu.memory_space<vmem_shared>> -> memref<51200xf32, #tpu.memory_space<vmem_shared>>
    tpu.wait_indirect_dma semaphore(%arg26 : memref<!tpu.dma_semaphore, #tpu.memory_space<semaphore_mem>>) src(%dma_wait3A_132 : memref<51200xf32, #tpu.memory_space<vmem_shared>>) dst(%dma_wait3A_128 : memref<6280xf32, #tpu.memory_space<vmem>>)
    %dma_wait3A_133 = arith.constant 0 : i32
    %dma_wait3A_134 = tpu.memref_slice %arg18[%dma_wait3A_133] : memref<6288xf32, #tpu.memory_space<vmem>> -> memref<6240xf32, #tpu.memory_space<vmem>>
    %dma_wait3A_135 = arith.constant 0 : i32
    %dma_wait3A_136 = tpu.memref_slice %arg30[%dma_wait3A_135] : memref<51200xf32, #tpu.memory_space<vmem_shared>> -> memref<51200xf32, #tpu.memory_space<vmem_shared>>
    tpu.wait_indirect_dma semaphore(%arg28 : memref<!tpu.dma_semaphore, #tpu.memory_space<semaphore_mem>>) src(%dma_wait3A_134 : memref<6240xf32, #tpu.memory_space<vmem>>) dst(%dma_wait3A_136 : memref<51200xf32, #tpu.memory_space<vmem_shared>>)
    %scan3A_137 = arith.constant 0 : i32
    %scan3A_138 = arith.constant 0 : i32
    %scan3A_139 = arith.constant 393 : i32
    %scan3A_140 = arith.addi %scan3A_138, %scan3A_139 : i32
    %scan3A_141 = arith.constant 1 : i32
    scf.for %scan3A_156 = %scan3A_138 to %scan3A_140 step %scan3A_141  : i32 {
      %mul3A_157 = arith.constant 16 : i32
      %mul3A_158 = arith.muli %scan3A_156, %mul3A_157 : i32
      %mul3A_159 = arith.constant 16 : i32
      %mul3A_160 = arith.muli %scan3A_156, %mul3A_159 : i32
      %add3A_161 = arith.constant 18720 : i32
      %add3A_162 = arith.addi %add3A_161, %mul3A_160 : i32
      %get3A = arith.index_cast %add3A_162 : i32 to index
      %get3A_163 = tpu.vector_load %arg14[%get3A] {strides = array<i32>} : memref<25000xf32, #tpu.memory_space<vmem>>, vector<16xf32>,
      %get3A_164 = vector.shape_cast %get3A_163 : vector<16xf32> to vector<16xf32>
      %get3A_165 = arith.index_cast %mul3A_158 : i32 to index
      %get3A_166 = tpu.vector_load %arg16[%get3A_165] {strides = array<i32>} : memref<6288xf32, #tpu.memory_space<vmem>>, vector<16xf32>,
      %get3A_167 = vector.shape_cast %get3A_166 : vector<16xf32> to vector<16xf32>
      %mul3A_168 = arith.mulf %get3A_164, %get3A_167 : vector<16xf32>
      %swap3A = arith.index_cast %mul3A_158 : i32 to index
      %swap3A_169 = tpu.vector_load %arg18[%swap3A] {strides = array<i32>} : memref<6288xf32, #tpu.memory_space<vmem>>, vector<16xf32>,
      %swap3A_170 = vector.shape_cast %swap3A_169 : vector<16xf32> to vector<16xf32>
      %swap3A_171 = vector.shape_cast %mul3A_168 : vector<16xf32> to vector<16xf32>
      tpu.vector_store %arg18[%swap3A], %swap3A_171 {strides = array<i32>} : memref<6288xf32, #tpu.memory_space<vmem>>, vector<16xf32>,
    }
    %scan3A_142 = arith.constant 393 : i32
    %dma_start3A_143 = arith.constant 0 : i32
    %dma_start3A_144 = tpu.memref_slice %arg18[%dma_start3A_143] : memref<6288xf32, #tpu.memory_space<vmem>> -> memref<6280xf32, #tpu.memory_space<vmem>>
    %dma_start3A_145 = arith.constant 0 : i32
    %dma_start3A_146 = tpu.memref_slice %arg30[%dma_start3A_145] : memref<51200xf32, #tpu.memory_space<vmem_shared>> -> memref<51200xf32, #tpu.memory_space<vmem_shared>>
    tpu.enqueue_indirect_dma source(%dma_start3A_144 : memref<6280xf32, #tpu.memory_space<vmem>>) target(%dma_start3A_146 : memref<51200xf32, #tpu.memory_space<vmem_shared>>) offsets(%arg12 : memref<6280xi32, #tpu.memory_space<vmem>>) semaphore(%arg28 : memref<!tpu.dma_semaphore, #tpu.memory_space<semaphore_mem>>) {add = true}
    %dma_wait3A_147 = arith.constant 0 : i32
    %dma_wait3A_148 = tpu.memref_slice %arg17[%dma_wait3A_147] : memref<6288xf32, #tpu.memory_space<vmem>> -> memref<6240xf32, #tpu.memory_space<vmem>>
    %dma_wait3A_149 = arith.constant 0 : i32
    %dma_wait3A_150 = tpu.memref_slice %arg30[%dma_wait3A_149] : memref<51200xf32, #tpu.memory_space<vmem_shared>> -> memref<51200xf32, #tpu.memory_space<vmem_shared>>
    tpu.wait_indirect_dma semaphore(%arg27 : memref<!tpu.dma_semaphore, #tpu.memory_space<semaphore_mem>>) src(%dma_wait3A_148 : memref<6240xf32, #tpu.memory_space<vmem>>) dst(%dma_wait3A_150 : memref<51200xf32, #tpu.memory_space<vmem_shared>>)
    %dma_wait3A_151 = arith.constant 0 : i32
    %dma_wait3A_152 = tpu.memref_slice %arg18[%dma_wait3A_151] : memref<6288xf32, #tpu.memory_space<vmem>> -> memref<6280xf32, #tpu.memory_space<vmem>>
    %dma_wait3A_153 = arith.constant 0 : i32
    %dma_wait3A_154 = tpu.memref_slice %arg30[%dma_wait3A_153] : memref<51200xf32, #tpu.memory_space<vmem_shared>> -> memref<51200xf32, #tpu.memory_space<vmem_shared>>
    tpu.wait_indirect_dma semaphore(%arg28 : memref<!tpu.dma_semaphore, #tpu.memory_space<semaphore_mem>>) src(%dma_wait3A_152 : memref<6280xf32, #tpu.memory_space<vmem>>) dst(%dma_wait3A_154 : memref<51200xf32, #tpu.memory_space<vmem_shared>>)
    %barrier3A_155 = arith.constant 0 : index
    tpu.barrier barrier_id(%barrier3A_155)
    "tpu.region"() ({
      %run_scoped3A_156 = tpu.sem_alloc : memref<!tpu.dma_semaphore, #tpu.memory_space<semaphore_mem>>
      %dma_start3A_157 = tpu.memref_slice %arg7[%arg0, %mul3A_4] : memref<2x51200xf32, #tpu.memory_space<hbm>> -> memref<1x3200xf32, #tpu.memory_space<hbm>>
      %dma_start3A_158 = tpu.memref_squeeze %dma_start3A_157 : memref<1x3200xf32, #tpu.memory_space<hbm>> -> memref<3200xf32, #tpu.memory_space<hbm>>
      %dma_start3A_159 = tpu.memref_slice %arg30[%mul3A_4] : memref<51200xf32, #tpu.memory_space<vmem_shared>> -> memref<3200xf32, #tpu.memory_space<vmem_shared>>
      tpu.enqueue_dma source(%dma_start3A_159 : memref<3200xf32, #tpu.memory_space<vmem_shared>>) target(%dma_start3A_158 : memref<3200xf32, #tpu.memory_space<hbm>>) target_semaphore(%run_scoped3A_156 : memref<!tpu.dma_semaphore, #tpu.memory_space<semaphore_mem>>)
      %dma_wait3A_160 = tpu.memref_slice %arg7[%arg0, %mul3A_4] : memref<2x51200xf32, #tpu.memory_space<hbm>> -> memref<1x3200xf32, #tpu.memory_space<hbm>>
      %dma_wait3A_161 = tpu.memref_squeeze %dma_wait3A_160 : memref<1x3200xf32, #tpu.memory_space<hbm>> -> memref<3200xf32, #tpu.memory_space<hbm>>
      %dma_wait3A_162 = tpu.memref_slice %arg30[%mul3A_4] : memref<51200xf32, #tpu.memory_space<vmem_shared>> -> memref<3200xf32, #tpu.memory_space<vmem_shared>>
      tpu.wait_dma2 semaphore(%run_scoped3A_156 : memref<!tpu.dma_semaphore, #tpu.memory_space<semaphore_mem>>) src(%dma_wait3A_162 : memref<3200xf32, #tpu.memory_space<vmem_shared>>) dst(%dma_wait3A_161 : memref<3200xf32, #tpu.memory_space<hbm>>)
      tpu.yield
    }) : () -> ()
    return
  }
}

#map = affine_map<(d0, d1) -> (0)>
#map1 = affine_map<(d0, d1) -> (0, 0)>
module attributes {stable_mosaic.version = 14 : i64} {
  func.func @k(%arg0: i32, %arg1: i32, %arg2: memref<1600000xi32, #tpu.memory_space<hbm>>, %arg3: memref<800000xf32, #tpu.memory_space<hbm>>, %arg4: memref<51200xf32, #tpu.memory_space<hbm>>, %arg5: memref<2x51200xf32, #tpu.memory_space<hbm>>, %arg6: memref<6240xi32, #tpu.memory_space<vmem>>, %arg7: memref<6240xi32, #tpu.memory_space<vmem>>, %arg8: memref<6240xi32, #tpu.memory_space<vmem>>, %arg9: memref<6280xi32, #tpu.memory_space<vmem>>, %arg10: memref<25000xf32, #tpu.memory_space<vmem>>, %arg11: memref<!tpu.dma_semaphore, #tpu.memory_space<semaphore_mem>>, %arg12: memref<!tpu.dma_semaphore, #tpu.memory_space<semaphore_mem>>, %arg13: memref<51200xf32, #tpu.memory_space<vmem_shared>>) attributes {dimension_semantics = [#tpu.dimension_semantics<core_parallel>, #tpu.dimension_semantics<subcore_parallel>], iteration_bounds = array<i64: 2, 16>, scalar_prefetch = 0 : i64, scratch_operands = 8 : i64, tpu.core_type = #tpu.core_type<sc_vector_subcore>, window_params = [{transform_indices = #map}, {transform_indices = #map}, {transform_indices = #map}, {transform_indices = #map1}]} {
    %mul3A = arith.constant 2 : i32
    %mul3A_0 = arith.muli %arg1, %mul3A : i32
    %add3A = arith.addi %mul3A_0, %arg0 : i32
    %mul3A_1 = arith.constant 25000 : i32
    %mul3A_2 = arith.muli %add3A, %mul3A_1 : i32
    %add3A_3 = arith.constant 800000 : i32
    %add3A_4 = arith.addi %add3A_3, %mul3A_2 : i32
    %add3A_5 = arith.constant 0 : i32
    %add3A_6 = arith.addi %add3A_4, %add3A_5 : i32
    %dma_start3A = tpu.memref_slice %arg2[%add3A_6] : memref<1600000xi32, #tpu.memory_space<hbm>> -> memref<6240xi32, #tpu.memory_space<hbm>>
    %dma_start3A_7 = tpu.memref_slice %arg2[%add3A_6] : memref<1600000xi32, #tpu.memory_space<hbm>> -> memref<6240xi32, #tpu.memory_space<hbm>>
    tpu.enqueue_dma source(%dma_start3A_7 : memref<6240xi32, #tpu.memory_space<hbm>>) target(%arg6 : memref<6240xi32, #tpu.memory_space<vmem>>) target_semaphore(%arg11 : memref<!tpu.dma_semaphore, #tpu.memory_space<semaphore_mem>>)
    %add3A_8 = arith.constant 800000 : i32
    %add3A_9 = arith.addi %add3A_8, %mul3A_2 : i32
    %add3A_10 = arith.constant 6240 : i32
    %add3A_11 = arith.addi %add3A_9, %add3A_10 : i32
    %dma_start3A_12 = tpu.memref_slice %arg2[%add3A_11] : memref<1600000xi32, #tpu.memory_space<hbm>> -> memref<6240xi32, #tpu.memory_space<hbm>>
    %dma_start3A_13 = tpu.memref_slice %arg2[%add3A_11] : memref<1600000xi32, #tpu.memory_space<hbm>> -> memref<6240xi32, #tpu.memory_space<hbm>>
    tpu.enqueue_dma source(%dma_start3A_13 : memref<6240xi32, #tpu.memory_space<hbm>>) target(%arg7 : memref<6240xi32, #tpu.memory_space<vmem>>) target_semaphore(%arg11 : memref<!tpu.dma_semaphore, #tpu.memory_space<semaphore_mem>>)
    %add3A_14 = arith.constant 800000 : i32
    %add3A_15 = arith.addi %add3A_14, %mul3A_2 : i32
    %add3A_16 = arith.constant 12480 : i32
    %add3A_17 = arith.addi %add3A_15, %add3A_16 : i32
    %dma_start3A_18 = tpu.memref_slice %arg2[%add3A_17] : memref<1600000xi32, #tpu.memory_space<hbm>> -> memref<6240xi32, #tpu.memory_space<hbm>>
    %dma_start3A_19 = tpu.memref_slice %arg2[%add3A_17] : memref<1600000xi32, #tpu.memory_space<hbm>> -> memref<6240xi32, #tpu.memory_space<hbm>>
    tpu.enqueue_dma source(%dma_start3A_19 : memref<6240xi32, #tpu.memory_space<hbm>>) target(%arg8 : memref<6240xi32, #tpu.memory_space<vmem>>) target_semaphore(%arg11 : memref<!tpu.dma_semaphore, #tpu.memory_space<semaphore_mem>>)
    %add3A_20 = arith.constant 800000 : i32
    %add3A_21 = arith.addi %add3A_20, %mul3A_2 : i32
    %add3A_22 = arith.constant 18720 : i32
    %add3A_23 = arith.addi %add3A_21, %add3A_22 : i32
    %dma_start3A_24 = tpu.memref_slice %arg2[%add3A_23] : memref<1600000xi32, #tpu.memory_space<hbm>> -> memref<6280xi32, #tpu.memory_space<hbm>>
    %dma_start3A_25 = tpu.memref_slice %arg2[%add3A_23] : memref<1600000xi32, #tpu.memory_space<hbm>> -> memref<6280xi32, #tpu.memory_space<hbm>>
    tpu.enqueue_dma source(%dma_start3A_25 : memref<6280xi32, #tpu.memory_space<hbm>>) target(%arg9 : memref<6280xi32, #tpu.memory_space<vmem>>) target_semaphore(%arg11 : memref<!tpu.dma_semaphore, #tpu.memory_space<semaphore_mem>>)
    %dma_start3A_26 = tpu.memref_slice %arg3[%mul3A_2] : memref<800000xf32, #tpu.memory_space<hbm>> -> memref<25000xf32, #tpu.memory_space<hbm>>
    %dma_start3A_27 = tpu.memref_slice %arg3[%mul3A_2] : memref<800000xf32, #tpu.memory_space<hbm>> -> memref<25000xf32, #tpu.memory_space<hbm>>
    tpu.enqueue_dma source(%dma_start3A_27 : memref<25000xf32, #tpu.memory_space<hbm>>) target(%arg10 : memref<25000xf32, #tpu.memory_space<vmem>>) target_semaphore(%arg11 : memref<!tpu.dma_semaphore, #tpu.memory_space<semaphore_mem>>)
    %mul3A_28 = arith.constant 3200 : i32
    %mul3A_29 = arith.muli %arg1, %mul3A_28 : i32
    %mul3A_30 = arith.constant 3200 : i32
    %mul3A_31 = arith.muli %arg1, %mul3A_30 : i32
    "tpu.region"() ({
      %run_scoped3A = tpu.sem_alloc : memref<!tpu.dma_semaphore, #tpu.memory_space<semaphore_mem>>
      %dma_start3A_78 = tpu.memref_slice %arg13[%mul3A_31] : memref<51200xf32, #tpu.memory_space<vmem_shared>> -> memref<3200xf32, #tpu.memory_space<vmem_shared>>
      %dma_start3A_79 = tpu.memref_slice %arg4[%mul3A_29] : memref<51200xf32, #tpu.memory_space<hbm>> -> memref<3200xf32, #tpu.memory_space<hbm>>
      tpu.enqueue_dma source(%dma_start3A_79 : memref<3200xf32, #tpu.memory_space<hbm>>) target(%dma_start3A_78 : memref<3200xf32, #tpu.memory_space<vmem_shared>>) target_semaphore(%run_scoped3A : memref<!tpu.dma_semaphore, #tpu.memory_space<semaphore_mem>>)
      %dma_wait3A_80 = tpu.memref_slice %arg13[%mul3A_31] : memref<51200xf32, #tpu.memory_space<vmem_shared>> -> memref<3200xf32, #tpu.memory_space<vmem_shared>>
      %dma_wait3A_81 = tpu.memref_slice %arg4[%mul3A_29] : memref<51200xf32, #tpu.memory_space<hbm>> -> memref<3200xf32, #tpu.memory_space<hbm>>
      tpu.wait_dma2 semaphore(%run_scoped3A : memref<!tpu.dma_semaphore, #tpu.memory_space<semaphore_mem>>) src(%dma_wait3A_81 : memref<3200xf32, #tpu.memory_space<hbm>>) dst(%dma_wait3A_80 : memref<3200xf32, #tpu.memory_space<vmem_shared>>)
      tpu.yield
    }) : () -> ()
    %dma_wait3A = tpu.memref_slice %arg2[%add3A_6] : memref<1600000xi32, #tpu.memory_space<hbm>> -> memref<6240xi32, #tpu.memory_space<hbm>>
    %dma_wait3A_32 = tpu.memref_slice %arg2[%add3A_6] : memref<1600000xi32, #tpu.memory_space<hbm>> -> memref<6240xi32, #tpu.memory_space<hbm>>
    tpu.wait_dma2 semaphore(%arg11 : memref<!tpu.dma_semaphore, #tpu.memory_space<semaphore_mem>>) src(%dma_wait3A_32 : memref<6240xi32, #tpu.memory_space<hbm>>) dst(%arg6 : memref<6240xi32, #tpu.memory_space<vmem>>)
    %dma_wait3A_33 = tpu.memref_slice %arg2[%add3A_11] : memref<1600000xi32, #tpu.memory_space<hbm>> -> memref<6240xi32, #tpu.memory_space<hbm>>
    %dma_wait3A_34 = tpu.memref_slice %arg2[%add3A_11] : memref<1600000xi32, #tpu.memory_space<hbm>> -> memref<6240xi32, #tpu.memory_space<hbm>>
    tpu.wait_dma2 semaphore(%arg11 : memref<!tpu.dma_semaphore, #tpu.memory_space<semaphore_mem>>) src(%dma_wait3A_34 : memref<6240xi32, #tpu.memory_space<hbm>>) dst(%arg7 : memref<6240xi32, #tpu.memory_space<vmem>>)
    %dma_wait3A_35 = tpu.memref_slice %arg2[%add3A_17] : memref<1600000xi32, #tpu.memory_space<hbm>> -> memref<6240xi32, #tpu.memory_space<hbm>>
    %dma_wait3A_36 = tpu.memref_slice %arg2[%add3A_17] : memref<1600000xi32, #tpu.memory_space<hbm>> -> memref<6240xi32, #tpu.memory_space<hbm>>
    tpu.wait_dma2 semaphore(%arg11 : memref<!tpu.dma_semaphore, #tpu.memory_space<semaphore_mem>>) src(%dma_wait3A_36 : memref<6240xi32, #tpu.memory_space<hbm>>) dst(%arg8 : memref<6240xi32, #tpu.memory_space<vmem>>)
    %dma_wait3A_37 = tpu.memref_slice %arg2[%add3A_23] : memref<1600000xi32, #tpu.memory_space<hbm>> -> memref<6280xi32, #tpu.memory_space<hbm>>
    %dma_wait3A_38 = tpu.memref_slice %arg2[%add3A_23] : memref<1600000xi32, #tpu.memory_space<hbm>> -> memref<6280xi32, #tpu.memory_space<hbm>>
    tpu.wait_dma2 semaphore(%arg11 : memref<!tpu.dma_semaphore, #tpu.memory_space<semaphore_mem>>) src(%dma_wait3A_38 : memref<6280xi32, #tpu.memory_space<hbm>>) dst(%arg9 : memref<6280xi32, #tpu.memory_space<vmem>>)
    %dma_wait3A_39 = tpu.memref_slice %arg3[%mul3A_2] : memref<800000xf32, #tpu.memory_space<hbm>> -> memref<25000xf32, #tpu.memory_space<hbm>>
    %dma_wait3A_40 = tpu.memref_slice %arg3[%mul3A_2] : memref<800000xf32, #tpu.memory_space<hbm>> -> memref<25000xf32, #tpu.memory_space<hbm>>
    tpu.wait_dma2 semaphore(%arg11 : memref<!tpu.dma_semaphore, #tpu.memory_space<semaphore_mem>>) src(%dma_wait3A_40 : memref<25000xf32, #tpu.memory_space<hbm>>) dst(%arg10 : memref<25000xf32, #tpu.memory_space<vmem>>)
    %barrier3A = arith.constant 0 : index
    tpu.barrier barrier_id(%barrier3A)
    %dma_start3A_41 = arith.constant 0 : i32
    %dma_start3A_42 = tpu.memref_slice %arg10[%dma_start3A_41] : memref<25000xf32, #tpu.memory_space<vmem>> -> memref<6240xf32, #tpu.memory_space<vmem>>
    %dma_start3A_43 = arith.constant 0 : i32
    %dma_start3A_44 = tpu.memref_slice %arg13[%dma_start3A_43] : memref<51200xf32, #tpu.memory_space<vmem_shared>> -> memref<51200xf32, #tpu.memory_space<vmem_shared>>
    tpu.enqueue_indirect_dma source(%dma_start3A_42 : memref<6240xf32, #tpu.memory_space<vmem>>) target(%dma_start3A_44 : memref<51200xf32, #tpu.memory_space<vmem_shared>>) offsets(%arg6 : memref<6240xi32, #tpu.memory_space<vmem>>) semaphore(%arg12 : memref<!tpu.dma_semaphore, #tpu.memory_space<semaphore_mem>>) {add = true}
    %dma_start3A_45 = arith.constant 6240 : i32
    %dma_start3A_46 = tpu.memref_slice %arg10[%dma_start3A_45] : memref<25000xf32, #tpu.memory_space<vmem>> -> memref<6240xf32, #tpu.memory_space<vmem>>
    %dma_start3A_47 = arith.constant 0 : i32
    %dma_start3A_48 = tpu.memref_slice %arg13[%dma_start3A_47] : memref<51200xf32, #tpu.memory_space<vmem_shared>> -> memref<51200xf32, #tpu.memory_space<vmem_shared>>
    tpu.enqueue_indirect_dma source(%dma_start3A_46 : memref<6240xf32, #tpu.memory_space<vmem>>) target(%dma_start3A_48 : memref<51200xf32, #tpu.memory_space<vmem_shared>>) offsets(%arg7 : memref<6240xi32, #tpu.memory_space<vmem>>) semaphore(%arg12 : memref<!tpu.dma_semaphore, #tpu.memory_space<semaphore_mem>>) {add = true}
    %dma_start3A_49 = arith.constant 12480 : i32
    %dma_start3A_50 = tpu.memref_slice %arg10[%dma_start3A_49] : memref<25000xf32, #tpu.memory_space<vmem>> -> memref<6240xf32, #tpu.memory_space<vmem>>
    %dma_start3A_51 = arith.constant 0 : i32
    %dma_start3A_52 = tpu.memref_slice %arg13[%dma_start3A_51] : memref<51200xf32, #tpu.memory_space<vmem_shared>> -> memref<51200xf32, #tpu.memory_space<vmem_shared>>
    tpu.enqueue_indirect_dma source(%dma_start3A_50 : memref<6240xf32, #tpu.memory_space<vmem>>) target(%dma_start3A_52 : memref<51200xf32, #tpu.memory_space<vmem_shared>>) offsets(%arg8 : memref<6240xi32, #tpu.memory_space<vmem>>) semaphore(%arg12 : memref<!tpu.dma_semaphore, #tpu.memory_space<semaphore_mem>>) {add = true}
    %dma_start3A_53 = arith.constant 18720 : i32
    %dma_start3A_54 = tpu.memref_slice %arg10[%dma_start3A_53] : memref<25000xf32, #tpu.memory_space<vmem>> -> memref<6280xf32, #tpu.memory_space<vmem>>
    %dma_start3A_55 = arith.constant 0 : i32
    %dma_start3A_56 = tpu.memref_slice %arg13[%dma_start3A_55] : memref<51200xf32, #tpu.memory_space<vmem_shared>> -> memref<51200xf32, #tpu.memory_space<vmem_shared>>
    tpu.enqueue_indirect_dma source(%dma_start3A_54 : memref<6280xf32, #tpu.memory_space<vmem>>) target(%dma_start3A_56 : memref<51200xf32, #tpu.memory_space<vmem_shared>>) offsets(%arg9 : memref<6280xi32, #tpu.memory_space<vmem>>) semaphore(%arg12 : memref<!tpu.dma_semaphore, #tpu.memory_space<semaphore_mem>>) {add = true}
    %dma_wait3A_57 = arith.constant 0 : i32
    %dma_wait3A_58 = tpu.memref_slice %arg10[%dma_wait3A_57] : memref<25000xf32, #tpu.memory_space<vmem>> -> memref<6240xf32, #tpu.memory_space<vmem>>
    %dma_wait3A_59 = arith.constant 0 : i32
    %dma_wait3A_60 = tpu.memref_slice %arg13[%dma_wait3A_59] : memref<51200xf32, #tpu.memory_space<vmem_shared>> -> memref<51200xf32, #tpu.memory_space<vmem_shared>>
    tpu.wait_indirect_dma semaphore(%arg12 : memref<!tpu.dma_semaphore, #tpu.memory_space<semaphore_mem>>) src(%dma_wait3A_58 : memref<6240xf32, #tpu.memory_space<vmem>>) dst(%dma_wait3A_60 : memref<51200xf32, #tpu.memory_space<vmem_shared>>)
    %dma_wait3A_61 = arith.constant 6240 : i32
    %dma_wait3A_62 = tpu.memref_slice %arg10[%dma_wait3A_61] : memref<25000xf32, #tpu.memory_space<vmem>> -> memref<6240xf32, #tpu.memory_space<vmem>>
    %dma_wait3A_63 = arith.constant 0 : i32
    %dma_wait3A_64 = tpu.memref_slice %arg13[%dma_wait3A_63] : memref<51200xf32, #tpu.memory_space<vmem_shared>> -> memref<51200xf32, #tpu.memory_space<vmem_shared>>
    tpu.wait_indirect_dma semaphore(%arg12 : memref<!tpu.dma_semaphore, #tpu.memory_space<semaphore_mem>>) src(%dma_wait3A_62 : memref<6240xf32, #tpu.memory_space<vmem>>) dst(%dma_wait3A_64 : memref<51200xf32, #tpu.memory_space<vmem_shared>>)
    %dma_wait3A_65 = arith.constant 12480 : i32
    %dma_wait3A_66 = tpu.memref_slice %arg10[%dma_wait3A_65] : memref<25000xf32, #tpu.memory_space<vmem>> -> memref<6240xf32, #tpu.memory_space<vmem>>
    %dma_wait3A_67 = arith.constant 0 : i32
    %dma_wait3A_68 = tpu.memref_slice %arg13[%dma_wait3A_67] : memref<51200xf32, #tpu.memory_space<vmem_shared>> -> memref<51200xf32, #tpu.memory_space<vmem_shared>>
    tpu.wait_indirect_dma semaphore(%arg12 : memref<!tpu.dma_semaphore, #tpu.memory_space<semaphore_mem>>) src(%dma_wait3A_66 : memref<6240xf32, #tpu.memory_space<vmem>>) dst(%dma_wait3A_68 : memref<51200xf32, #tpu.memory_space<vmem_shared>>)
    %dma_wait3A_69 = arith.constant 18720 : i32
    %dma_wait3A_70 = tpu.memref_slice %arg10[%dma_wait3A_69] : memref<25000xf32, #tpu.memory_space<vmem>> -> memref<6280xf32, #tpu.memory_space<vmem>>
    %dma_wait3A_71 = arith.constant 0 : i32
    %dma_wait3A_72 = tpu.memref_slice %arg13[%dma_wait3A_71] : memref<51200xf32, #tpu.memory_space<vmem_shared>> -> memref<51200xf32, #tpu.memory_space<vmem_shared>>
    tpu.wait_indirect_dma semaphore(%arg12 : memref<!tpu.dma_semaphore, #tpu.memory_space<semaphore_mem>>) src(%dma_wait3A_70 : memref<6280xf32, #tpu.memory_space<vmem>>) dst(%dma_wait3A_72 : memref<51200xf32, #tpu.memory_space<vmem_shared>>)
    %barrier3A_73 = arith.constant 0 : index
    tpu.barrier barrier_id(%barrier3A_73)
    %mul3A_74 = arith.constant 3200 : i32
    %mul3A_75 = arith.muli %arg1, %mul3A_74 : i32
    %mul3A_76 = arith.constant 3200 : i32
    %mul3A_77 = arith.muli %arg1, %mul3A_76 : i32
    "tpu.region"() ({
      %run_scoped3A = tpu.sem_alloc : memref<!tpu.dma_semaphore, #tpu.memory_space<semaphore_mem>>
      %dma_start3A_78 = tpu.memref_slice %arg5[%arg0, %mul3A_77] : memref<2x51200xf32, #tpu.memory_space<hbm>> -> memref<1x3200xf32, #tpu.memory_space<hbm>>
      %dma_start3A_79 = tpu.memref_squeeze %dma_start3A_78 : memref<1x3200xf32, #tpu.memory_space<hbm>> -> memref<3200xf32, #tpu.memory_space<hbm>>
      %dma_start3A_80 = tpu.memref_slice %arg13[%mul3A_75] : memref<51200xf32, #tpu.memory_space<vmem_shared>> -> memref<3200xf32, #tpu.memory_space<vmem_shared>>
      tpu.enqueue_dma source(%dma_start3A_80 : memref<3200xf32, #tpu.memory_space<vmem_shared>>) target(%dma_start3A_79 : memref<3200xf32, #tpu.memory_space<hbm>>) target_semaphore(%run_scoped3A : memref<!tpu.dma_semaphore, #tpu.memory_space<semaphore_mem>>)
      %dma_wait3A_81 = tpu.memref_slice %arg5[%arg0, %mul3A_77] : memref<2x51200xf32, #tpu.memory_space<hbm>> -> memref<1x3200xf32, #tpu.memory_space<hbm>>
      %dma_wait3A_82 = tpu.memref_squeeze %dma_wait3A_81 : memref<1x3200xf32, #tpu.memory_space<hbm>> -> memref<3200xf32, #tpu.memory_space<hbm>>
      %dma_wait3A_83 = tpu.memref_slice %arg13[%mul3A_75] : memref<51200xf32, #tpu.memory_space<vmem_shared>> -> memref<3200xf32, #tpu.memory_space<vmem_shared>>
      tpu.wait_dma2 semaphore(%run_scoped3A : memref<!tpu.dma_semaphore, #tpu.memory_space<semaphore_mem>>) src(%dma_wait3A_83 : memref<3200xf32, #tpu.memory_space<vmem_shared>>) dst(%dma_wait3A_82 : memref<3200xf32, #tpu.memory_space<hbm>>)
      tpu.yield
    }) : () -> ()
    return
  }
}

module attributes {stable_mosaic.version = 14 : i64} {
  func.func @k(%arg0: memref<2x400x128xf32, #tpu.memory_space<vmem>>, %arg1: memref<400x128xf32, #tpu.memory_space<vmem>>, %arg2: memref<400x128xf32, #tpu.memory_space<vmem>>, %arg3: memref<6x64xf32, #tpu.memory_space<smem>>, %arg4: memref<400x128xf32, #tpu.memory_space<vmem>>) attributes {dimension_semantics = [], scalar_prefetch = 0 : i64, scratch_operands = 0 : i64, tpu.core_type = #tpu.core_type<tc>} {
    %get3A = arith.constant 0 : index
    %get3A_0 = arith.constant 0 : index
    %get3A_1 = vector.load %arg2[%get3A, %get3A_0] : memref<400x128xf32, #tpu.memory_space<vmem>>, vector<400x128xf32>
    %get3A_2 = arith.constant 0 : index
    %get3A_3 = arith.constant 0 : index
    %get3A_4 = arith.constant 0 : index
    %get3A_5 = vector.load %arg0[%get3A_2, %get3A_3, %get3A_4] : memref<2x400x128xf32, #tpu.memory_space<vmem>>, vector<1x400x128xf32>
    %get3A_6 = vector.shape_cast %get3A_5 : vector<1x400x128xf32> to vector<400x128xf32>
    %get3A_7 = arith.constant 1 : index
    %get3A_8 = arith.constant 0 : index
    %get3A_9 = arith.constant 0 : index
    %get3A_10 = vector.load %arg0[%get3A_7, %get3A_8, %get3A_9] : memref<2x400x128xf32, #tpu.memory_space<vmem>>, vector<1x400x128xf32>
    %get3A_11 = vector.shape_cast %get3A_10 : vector<1x400x128xf32> to vector<400x128xf32>
    %add3A = arith.addf %get3A_6, %get3A_11 : vector<400x128xf32>
    %mul3A = arith.mulf %get3A_1, %add3A : vector<400x128xf32>
    %mul3A_12 = arith.mulf %get3A_1, %get3A_1 : vector<400x128xf32>
    %get3A_13 = arith.constant 0 : index
    %get3A_14 = arith.constant 0 : index
    %get3A_15 = vector.load %arg1[%get3A_13, %get3A_14] : memref<400x128xf32, #tpu.memory_space<vmem>>, vector<400x128xf32>
    %mul3A_16 = arith.mulf %mul3A_12, %get3A_15 : vector<400x128xf32>
    %add3A_17 = arith.addf %mul3A, %mul3A_16 : vector<400x128xf32>
    %broadcast_in_dim3A = arith.constant 0.000000e+00 : f32
    %broadcast_in_dim3A_18 = vector.broadcast %broadcast_in_dim3A : f32 to vector<400x128xf32>
    %scan3A = arith.constant 0 : i32
    %scan3A_19 = arith.constant 64 : i32
    %scan3A_20 = arith.addi %scan3A, %scan3A_19 : i32
    %scan3A_21 = arith.constant 1 : i32
    %scan3A_22 = scf.for %scan3A_31 = %scan3A to %scan3A_20 step %scan3A_21 iter_args(%scan3A_32 = %broadcast_in_dim3A_18) -> (vector<400x128xf32>)  : i32 {
      %get3A_33 = arith.constant 0 : index
      %get3A_34 = arith.index_cast %scan3A_31 : i32 to index
      %get3A_35 = memref.load %arg3[%get3A_33, %get3A_34] : memref<6x64xf32, #tpu.memory_space<smem>>
      %mul3A_36 = vector.broadcast %get3A_35 : f32 to vector<400x128xf32>
      %mul3A_37 = arith.mulf %add3A_17, %mul3A_36 : vector<400x128xf32>
      %get3A_38 = arith.constant 1 : index
      %get3A_39 = arith.index_cast %scan3A_31 : i32 to index
      %get3A_40 = memref.load %arg3[%get3A_38, %get3A_39] : memref<6x64xf32, #tpu.memory_space<smem>>
      %add3A_41 = vector.broadcast %get3A_40 : f32 to vector<400x128xf32>
      %add3A_42 = arith.addf %mul3A_37, %add3A_41 : vector<400x128xf32>
      %logistic3A = arith.negf %add3A_42 : vector<400x128xf32>
      %logistic3A_43 = math.exp %logistic3A : vector<400x128xf32>
      %logistic3A_44 = arith.constant 1.000000e+00 : f32
      %logistic3A_45 = vector.broadcast %logistic3A_44 : f32 to vector<400x128xf32>
      %logistic3A_46 = arith.addf %logistic3A_45, %logistic3A_43 : vector<400x128xf32>
      %logistic3A_47 = arith.divf %logistic3A_45, %logistic3A_46 : vector<400x128xf32>
      %get3A_48 = arith.constant 2 : index
      %get3A_49 = arith.index_cast %scan3A_31 : i32 to index
      %get3A_50 = memref.load %arg3[%get3A_48, %get3A_49] : memref<6x64xf32, #tpu.memory_space<smem>>
      %mul3A_51 = vector.broadcast %get3A_50 : f32 to vector<400x128xf32>
      %mul3A_52 = arith.mulf %add3A_17, %mul3A_51 : vector<400x128xf32>
      %get3A_53 = arith.constant 3 : index
      %get3A_54 = arith.index_cast %scan3A_31 : i32 to index
      %get3A_55 = memref.load %arg3[%get3A_53, %get3A_54] : memref<6x64xf32, #tpu.memory_space<smem>>
      %add3A_56 = vector.broadcast %get3A_55 : f32 to vector<400x128xf32>
      %add3A_57 = arith.addf %mul3A_52, %add3A_56 : vector<400x128xf32>
      %tanh3A = math.tanh %add3A_57 : vector<400x128xf32>
      %sub3A = arith.constant 1.000000e+00 : f32
      %sub3A_58 = vector.broadcast %sub3A : f32 to vector<400x128xf32>
      %sub3A_59 = arith.subf %sub3A_58, %logistic3A_47 : vector<400x128xf32>
      %mul3A_60 = arith.mulf %sub3A_59, %tanh3A : vector<400x128xf32>
      %max3A = arith.constant 0.000000e+00 : f32
      %max3A_61 = vector.broadcast %max3A : f32 to vector<400x128xf32>
      %max3A_62 = arith.maximumf %mul3A_60, %max3A_61 : vector<400x128xf32>
      %get3A_63 = arith.constant 4 : index
      %get3A_64 = arith.index_cast %scan3A_31 : i32 to index
      %get3A_65 = memref.load %arg3[%get3A_63, %get3A_64] : memref<6x64xf32, #tpu.memory_space<smem>>
      %mul3A_66 = vector.broadcast %get3A_65 : f32 to vector<400x128xf32>
      %mul3A_67 = arith.mulf %max3A_62, %mul3A_66 : vector<400x128xf32>
      %add3A_68 = arith.addf %scan3A_32, %mul3A_67 : vector<400x128xf32>
      scf.yield %add3A_68 : vector<400x128xf32>
    }
    %scan3A_23 = arith.constant 64 : i32
    %get3A_24 = arith.constant 5 : index
    %get3A_25 = arith.constant 0 : index
    %get3A_26 = memref.load %arg3[%get3A_24, %get3A_25] : memref<6x64xf32, #tpu.memory_space<smem>>
    %add3A_27 = vector.broadcast %get3A_26 : f32 to vector<400x128xf32>
    %add3A_28 = arith.addf %scan3A_22, %add3A_27 : vector<400x128xf32>
    %swap3A = arith.constant 0 : index
    %swap3A_29 = arith.constant 0 : index
    %swap3A_30 = vector.load %arg4[%swap3A, %swap3A_29] : memref<400x128xf32, #tpu.memory_space<vmem>>, vector<400x128xf32>
    tpu.vector_store %arg4[%swap3A, %swap3A_29], %add3A_28 {strides = array<i32>} : memref<400x128xf32, #tpu.memory_space<vmem>>, vector<400x128xf32>,
    return
  }
}

</mosaic_0001>

<sc_bundles>
// kernel: kernel.5.cloned.1.call-start
scs
__scs_entry_jumppad:
0x0: {  	(pc) =	sbr.rel $0x88, $3  }
0x1: {  	(tag) =	ssettag $0x0;
	lr =	simm.s32 $0x1  }
0x2: {  	[smem:$0x3F94] =	sst lr;
	_ =	strace $0xD0000000  }
0x3: {  	_ = 	snop  }
0x4: {  	_ = 	snop  }
0x5: {  	_ = 	snop  }
0x6: {  	_ = 	snop  }
0x7: {  	_ = 	snop  }
__scs_overlays_trampoline_lowered:
0x8: {  	[smem:$0x3FA3] =	sst s0  }
0x9: {  	[smem:$0x3FA4] =	sst s1  }
0xa: {  	[smem:$0x3FA5] =	sst s2  }
0xb: {  	[smem:$0x3FA6] =	sst s3  }
0xc: {  	[smem:$0x3FA7] =	sst s4  }
0xd: {  	[smem:$0x3FA8] =	sst s5  }
0xe: {  	[smem:$0x3FA9] =	sst s6  }
0xf: {  	[smem:$0x3FAA] =	sst s7  }
0x10: {  	[smem:$0x3FAB] =	sst s8  }
0x11: {  	[smem:$0x3FAC] =	sst s9;
	s0 =	simm.s32 @!p0 $0x0  }
0x12: {  	s1 =	sld [smem:$0x3F92];
	s0 =	simm.s32 @p0 $0x1  }
0x13: {  	[smem:$0x3FAD] =	sst s0;
	s0 =	simm.s32 @!p1 $0x0  }
0x14: {  	s2 =	sld [smem:$0x3F91];
	s0 =	simm.s32 @p1 $0x1  }
0x15: {  	[smem:$0x3FAE] =	sst s0;
	s0 =	simm.s32 @!p2 $0x0  }
0x16: {  	s3 =	sld [smem:$0x3FDB];
	s0 =	simm.s32 @p2 $0x1  }
0x17: {  	s4 =	simm.s32 $0x1BF5;
	[smem:$0x3FB0] =	sst s0  }
0x18: {  	s0 =	sld [smem:$0x3F93];
	_ =	swait.ge [sflag:s4], $0x0  }
0x19: {  	s7 =	sld [smem:$0x3F94]  }
0x1a: {  	s8 =	sadd.s32 $0xFFFFE003, lr  }
0x1b: {  	s9 =	sadd.s32 $0xFFFFFEF7, lr;
	s5 =	simm.s32 $0xFFFFFFFF;
	p2 =	slt.u32 s8, $0xFFFFF086  }
0x1c: {  	p1 =	slt.u32 s9, $0xF7A;
	s5 =	simm.s32 @!p2 $0x0  }
0x1d: {  	s5 =	simm.s32 @p1 $0x1;
	p0 =	seq.s32 s7, s2  }
0x1e: {  	s7 =	smul.u32 @!p0 $0xF7A, s2;
	p2 =	seq.s32 @!p0 s5, $0x0  }
0x1f: {  	s9 =	smul.u32 $0xF7A, s1;
	s8 =	simm.s32 @!p0 $0x1BF5;
	p2 =	por !p2, p0  }
0x20: {  	[sflag:s8] =	ssyncset.s32 @!p0 $0xFFFFF086;
	s6 =	sadd.s32 @!p0 s3, s7;
	s7 =	simm.s32 @!p0 $0x108  }
0x21: {  	s3 =	sadd.s32 s3, s9;
	s6 =	sadd.s32 @!p0 $0x88, s6;
	s7 =	simm.s32 @p2 $0x1082  }
0x22: {  	[simem:s7], [sflag:s8] =	dma.local @!p0 [hbm:s6], $0xF7A  }
0x23: {  	s9 =	sor.u32 $0xD0000000, s2;
	s6 =	simm.s32 $0x108;
	_ =	swait.ge @!p0 [sflag:s8], $0x0  }
0x24: {  	s3 =	sadd.s32 $0x88, s3;
	s6 =	simm.s32 @!p1 $0x1082;
	[sflag:s4] =	ssyncset.s32 $0xFFFFF086  }
0x25: {  	[simem:s6], [sflag:s4] =	dma.local [hbm:s3], $0xF7A  }
0x26: {  	[smem:$0x3F94] =	sst s1;
	(tag) =	ssettag s2;
	_ =	strace s9  }
0x27: {  	s1 =	sld [smem:$0x3FA4]  }
0x28: {  	s2 =	sld [smem:$0x3FA5]  }
0x29: {  	s4 =	sld [smem:$0x3FA7]  }
0x2a: {  	p0 =	seq.s32 s5, $0x0;
	s5 =	sld [smem:$0x3FA8]  }
0x2b: {  	s6 =	sld [smem:$0x3FA9]  }
0x2c: {  	s7 =	sld [smem:$0x3FAA]  }
0x2d: {  	s3 =	simm.s32 $0x108;
	s8 =	sld [smem:$0x3FAB]  }
0x2e: {  	s3 =	simm.s32 @!p0 $0x1082;
	s9 =	sld [smem:$0x3FAC]  }
0x2f: {  	lr =	sadd.s32 s0, s3;
	s0 =	sld [smem:$0x3FA3]  }
0x30: {  	s3 =	sld [smem:$0x3FA6]  }
0x31: {  	[smem:$0x3FAF] =	sst s10  }
0x32: {  	s10 =	sld [smem:$0x3FAD];
	_ =	sdelay $0x3  }
0x33: {  	p0 =	seq.s32 s10, $0x1;
	s10 =	sld [smem:$0x3FAF];
	_ =	sdelay $0x3  }
0x34: {  	[smem:$0x3FAF] =	sst s10  }
0x35: {  	s10 =	sld [smem:$0x3FAE];
	_ =	sdelay $0x3  }
0x36: {  	p1 =	seq.s32 s10, $0x1;
	s10 =	sld [smem:$0x3FAF];
	_ =	sdelay $0x3  }
0x37: {  	[smem:$0x3FAF] =	sst s10  }
0x38: {  	s10 =	sld [smem:$0x3FB0]  }
0x39: {  	_ = 	snop;
	(pc) =	sbr.ind lr, $3  }
0x3a: {  	_ = 	snop  }
0x3b: {  	_ = 	snop  }
0x3c: {  	p2 =	seq.s32 s10, $0x1;
	s10 =	sld [smem:$0x3FAF]  }
0x3d: {  	_ =	shalt  }
0x3e: {  	_ =	shalt  }
0x3f: {  	_ =	shalt  }
0x40: {  	_ =	shalt  }
0x41: {  	_ =	shalt  }
0x42: {  	_ =	shalt  }
0x43: {  	_ =	shalt  }
0x44: {  	_ =	shalt  }
0x45: {  	_ =	shalt  }
0x46: {  	_ =	shalt  }
0x47: {  	_ =	shalt  }
0x48: {  	_ =	shalt  }
0x49: {  	_ =	shalt  }
0x4a: {  	_ =	shalt  }
0x4b: {  	_ =	shalt  }
0x4c: {  	_ =	shalt  }
0x4d: {  	_ =	shalt  }
0x4e: {  	_ =	shalt  }
0x4f: {  	_ =	shalt  }
0x50: {  	_ =	shalt  }
0x51: {  	_ =	shalt  }
0x52: {  	_ =	shalt  }
0x53: {  	_ =	shalt  }
0x54: {  	_ =	shalt  }
0x55: {  	_ =	shalt  }
0x56: {  	_ =	shalt  }
0x57: {  	_ =	shalt  }
0x58: {  	_ =	shalt  }
0x59: {  	_ =	shalt  }
0x5a: {  	_ =	shalt  }
0x5b: {  	_ =	shalt  }
0x5c: {  	_ =	shalt  }
0x5d: {  	_ =	shalt  }
0x5e: {  	_ =	shalt  }
0x5f: {  	_ =	shalt  }
0x60: {  	_ =	shalt  }
0x61: {  	_ =	shalt  }
0x62: {  	_ =	shalt  }
0x63: {  	_ =	shalt  }
0x64: {  	_ =	shalt  }
0x65: {  	_ =	shalt  }
0x66: {  	_ =	shalt  }
0x67: {  	_ =	shalt  }
0x68: {  	_ =	shalt  }
0x69: {  	_ =	shalt  }
0x6a: {  	_ =	shalt  }
0x6b: {  	_ =	shalt  }
0x6c: {  	_ =	shalt  }
0x6d: {  	_ =	shalt  }
0x6e: {  	_ =	shalt  }
0x6f: {  	_ =	shalt  }
0x70: {  	_ =	shalt  }
0x71: {  	_ =	shalt  }
0x72: {  	_ =	shalt  }
0x73: {  	_ =	shalt  }
0x74: {  	_ =	shalt  }
0x75: {  	_ =	shalt  }
0x76: {  	_ =	shalt  }
0x77: {  	_ =	shalt  }
0x78: {  	_ =	shalt  }
0x79: {  	_ =	shalt  }
0x7a: {  	_ =	shalt  }
0x7b: {  	_ =	shalt  }
0x7c: {  	_ =	shalt  }
0x7d: {  	_ =	shalt  }
0x7e: {  	_ =	shalt  }
0x7f: {  	_ =	shalt  }
0x80: {  	_ =	shalt  }
0x81: {  	_ =	shalt  }
0x82: {  	_ =	shalt  }
0x83: {  	_ =	shalt  }
0x84: {  	_ =	shalt  }
0x85: {  	_ =	shalt  }
0x86: {  	_ =	shalt  }
0x87: {  	_ =	shalt  }
.Lfunc_end0:
.L_simem_size_0:
called_computation_lowered:
.L_overlay_start_0:
0x88: {  	s2 =	sld [smem:$0x3FD9]  }
0x89: {  	s3 =	sld [smem:$0x3FFE];
	_ =	sdelay $0x1  }
0x8a: {  	s1 =	srdreg.scid  }
0x8b: {  	s0 =	sand.u32 $0x1, s1  }
0x8c: {  	s17 =	sshll.u32 s0, $0xA;
	s2 =	sadd.s32 s3, s2  }
0x8d: {  	s2 =	sadd.s32 s2, s17  }
0x8e: {  	[smem:$0x3FBB] =	sst s2  }
0x8f: {  	_ = 	snop  }
0x90: {  	s2 =	sld [smem:$0x3FC7];
	(tm) =	ssettm $0x1  }
0x91: {  	s18 =	sld [smem:$0x3FFB];
	_ =	sdelay $0x3  }
0x92: {  	_ =	strace s18  }
0x93: {  	s3 =	sld [smem:$0x3FFC];
	_ =	sdelay $0x3  }
0x94: {  	_ =	strace s3  }
0x95: {  	s3 =	sld [smem:$0x3FFD];
	_ =	sdelay $0x3  }
0x96: {  	_ =	strace s3  }
0x97: {  	_ =	strace $0x8FFFFFFF  }
0x98: {  	s19 =	sld [smem:$0x3FDB];
	_ =	sdelay $0x1  }
0x99: {  	s4 =	simm.s32 $_scs_section_size  }
0x9a: {  	s5 =	simm.s32 $_size__tile_overlayer_lowered;
	s6 =	simm.s32 $_tile_overlayer_lowered  }
0x9b: {  	s22 =	simm.s32 $0x1BFF;
	s21 =	sshll.u32 s6, $0x1;
	s3 =	sadd.s32 s4, s19  }
0x9c: {  	s7 =	simm.s32 $0x0;
	s20 =	sshll.u32 s5, $0x1;
	s5 =	sadd.s32 s21, s3  }
0x9d: {  	[timem:s7], [sflag:s22] =	dma.local [hbm:s5], s20  }
0x9e: {  	_ =	swait.ge [sflag:s22], s20  }
0x9f: {  	s4 =	ssub.s32 $0x0, s20;
	[sflag:s22] =	ssyncset.done $0x0  }
0xa0: {  	[sflag:s22] =	ssyncadd.s32 s4;
	_ =	sdelay $0x1  }
0xa1: {  	s23 =	simm.s32 $0x1B8B  }
0xa2: {  	_ =	swait.ge [sflag:s23], $0x1  }
0xa3: {  	[sflag:s23] =	ssyncset.done $0x0  }
0xa4: {  	s25 =	simm.s32 $0x1B8E;
	s24 =	sld [smem:$0x3FFE];
	[sflag:s23] =	ssyncadd.s32 $0xFFFFFFFF  }
0xa5: {  	s26 =	simm.s32 $execute0_lowered;
	[smem:$0x3FD2] =	sst s25  }
0xa6: {  	s5 =	sshll.u32 s26, $0x1;
	_ =	strace $0x80000046;
	[dreg:$0x1] =	wrdreg $0xFFFFFFFF  }
0xa7: {  	s28 =	simm.s32 $_size_execute0_lowered;
	s3 =	sadd.s32 s3, s5;
	[dreg:$0x0] =	wrdreg $0x0  }
0xa8: {  	s5 =	sshll.u32 s28, $0x1;
	[dreg:$0x2] =	wrdreg s3  }
0xa9: {  	[dreg:$0x3] =	wrdreg s5  }
0xaa: {  	[dreg:$0x4] =	wrdreg $0xC0  }
0xab: {  	_ =	task [dreg:s7], $0x5FFFF  }
0xac: {  	[dreg:$0x1] =	wrdreg $0xFFFFFFFF  }
0xad: {  	[dreg:$0x0] =	wrdreg $0x60  }
0xae: {  	[dreg:$0x2] =	wrdreg s24  }
0xaf: {  	[dreg:$0x3] =	wrdreg s2  }
0xb0: {  	[dreg:$0x4] =	wrdreg $0xC4800  }
0xb1: {  	[dreg:$0x5] =	wrdreg $0x9  }
0xb2: {  	_ =	task.clear_ibuf [dreg:s7], $0x6FFFF;
	_ =	strace $0x90000046  }
0xb3: {  	s29 =	simm.s32 $0x9;
	_ =	strace $0x80000048  }
0xb4: {  	_ =	swait.ge [sflag:s29], $0x1  }
0xb5: {  	[sflag:s29] =	ssyncadd.s32 $0xFFFFFFFF  }
0xb6: {  	_ =	strace $0x90000048  }
0xb7: {  	_ =	sfence  }
0xb8: {  	s30 =	sld [smem:$0x0];
	_ =	sdelay $0x2  }
0xb9: {  	s31 =	sshll.u32 s1, $0xD;
	s1 =	sshrl.u32 s1, $0x2  }
0xba: {  	s3 =	sand.u32 $0x4000, s31;
	s1 =	sadd.s32 s1, s30  }
0xbb: {  	s0 =	sor.u32 s3, s0;
	s1 =	sshll.u32 s1, $0x11  }
0xbc: {  	s0 =	sor.u32 s1, s0  }
0xbd: {  	s0 =	sadd.s32 $0x8F2B, s0  }
0xbe: {  	[sflag:s0] =	ssyncadd.remote.s32 $0x1  }
0xbf: {  	_ =	sfence.sel $0xFFFF  }
0xc0: {  	[dreg:$0x0] =	wrdreg $0xFFFFFFFF;
	(pc) =	sbr.abs _section_cstart, $3  }
0xc1: {  	[dreg:$0x1] =	wrdreg $0xFFFFFFFF  }
0xc2: {  	_ =	task.clear_ibuf [dreg:s7], $0x2FFFF;
	_ =	strace $0x9FFFFFFF  }
0xc3: {  	(tm) =	ssettm $0x7FFFFFFF  }
tec
execute0_lowered:
.L_overlay_start_1:
0x0: {  	(tag) =	ssettag $0x1  }
0x1: {  	s1 =	srdreg.scid;
	s0 =	stileid.u32  }
0x2: {  	s24 =	rddreg [dreg:$0x0];
	s25 =	sand.u32 $0x1, s1;
	s30 =	sshll.u32 s0, $0x1  }
0x3: {  	s8 =	rddreg [dreg:$0x1];
	s1 =	sor.u32 s25, s30  }
0x4: {  	s2 =	rddreg [dreg:$0x2];
	s4 =	smul.u32 $0x61A8, s1  }
0x5: {  	s3 =	simm.s32 $0x0;
	s13 =	simm.s32 $0x4980;
	s14 =	simm.s32 $0x6280  }
0x6: {  	s10 =	smul.u32 $0xC80, s0;
	[smem:$0x7FF] =	sst s3;
	s9 =	sshrl.u32 s4, $0x3  }
0x7: {  	s12 =	sshll.u32 s0, $0x6;
	s1 =	rddreg [dreg:$0x3];
	s7 =	sadd.s32 s9, s24  }
0x8: {  	s31 =	sshrl.u32 s10, $0x3;
	_ =	strace $0x80000047;
	s4 =	sadd.s32 $0x1A6A0, s7  }
0x9: {  	[tilespmem:s3], [sflag:$0x1] =	stream.linear.gather [hbm4b:s4+s3], $0x1860, $0x38;
	[tilespmem:$0xD100] =	vst v63  }
0xa: {  	s8 =	sadd.s32 s8, s9;
	s9 =	simm.s32 $0x1880;
	s5 =	sadd.s32 $0x1A9AC, s7  }
0xb: {  	[tilespmem:s9], [sflag:$0x1] =	stream.linear.gather [hbm4b:s5+s3], $0x1860, $0x38;
	[tilespmem:$0xD100] =	vst v63  }
0xc: {  	s15 =	sadd.s32 s10, s2;
	s10 =	simm.s32 $0x3100;
	s6 =	sadd.s32 $0x1ACB8, s7  }
0xd: {  	[tilespmem:s10], [sflag:$0x1] =	stream.linear.gather [hbm4b:s6+s3], $0x1860, $0x38;
	[tilespmem:$0xD100] =	vst v63  }
0xe: {  	s12 =	sor.u32 $0x1C03, s12;
	s11 =	sadd.s32 s31, s24;
	s7 =	sadd.s32 $0x1AFC4, s7  }
0xf: {  	[tilespmem:s13], [sflag:$0x1] =	stream.linear.gather [hbm4b:s7+s3], $0x1888, $0x38;
	[tilespmem:$0xD100] =	vst v63  }
0x10: {  	s16 =	sshrl.u32 s15, $0x3;
	s15 =	simm.s32 $0x3;
	s11 =	sadd.s32 $0x32E00, s11  }
0x11: {  	[tilespmem:s14], [sflag:$0x1] =	stream.linear.gather [hbm4b:s8+s3], $0x61A8, $0x38;
	[tilespmem:$0xD100] =	vst v63  }
0x12: {  	[spmem:s16], [sflag:s12] =	dma.local [hbm:s11], $0x190  }
0x13: {  	_ =	swait.ge [sflag:s15], $0x190  }
0x14: {  	[sflag:s15] =	ssyncset.done $0x0  }
0x15: {  	s17 =	simm.s32 $0x1;
	[sflag:s15] =	ssyncadd.s32 $0xFFFFFE70  }
0x16: {  	_ =	swait.ge [sflag:s17], $0x1860  }
0x17: {  	[sflag:s17] =	ssyncset.done $0x0  }
0x18: {  	[sflag:s17] =	ssyncadd.s32 $0xFFFFE7A0  }
0x19: {  	_ =	swait.ge [sflag:s17], $0x1860  }
0x1a: {  	[sflag:s17] =	ssyncset.done $0x0  }
0x1b: {  	[sflag:s17] =	ssyncadd.s32 $0xFFFFE7A0  }
0x1c: {  	_ =	swait.ge [sflag:s17], $0x1860  }
0x1d: {  	[sflag:s17] =	ssyncset.done $0x0  }
0x1e: {  	[sflag:s17] =	ssyncadd.s32 $0xFFFFE7A0  }
0x1f: {  	_ =	swait.ge [sflag:s17], $0x1888  }
0x20: {  	[sflag:s17] =	ssyncset.done $0x0  }
0x21: {  	[sflag:s17] =	ssyncadd.s32 $0xFFFFE778  }
0x22: {  	_ =	swait.ge [sflag:s17], $0x61A8  }
0x23: {  	[sflag:s17] =	ssyncset.done $0x0  }
0x24: {  	[sflag:s17] =	ssyncadd.s32 $0xFFFF9E58  }
0x25: {  	s18 =	simm.s32 $0x1860;
	[bflag:$0x0] =	sbarrier.arrive $0xFFFF  }
0x26: {  	[spmem:s2] =	stream.indirect.scatter.add.f32 [tilespmem:s14], [sflag:$0x2], $0x1, s3, s18, $0xb8;
	[tilespmem:$0xD100] =	vst v63  }
0x27: {  	s19 =	simm.s32 $0x7AE0  }
0x28: {  	[spmem:s2] =	stream.indirect.scatter.add.f32 [tilespmem:s19], [sflag:$0x2], $0x1, s9, s18, $0xb8;
	[tilespmem:$0xD100] =	vst v63  }
0x29: {  	s20 =	simm.s32 $0x9340  }
0x2a: {  	[spmem:s2] =	stream.indirect.scatter.add.f32 [tilespmem:s20], [sflag:$0x2], $0x1, s10, s18, $0xb8;
	[tilespmem:$0xD100] =	vst v63  }
0x2b: {  	s21 =	simm.s32 $0x1888;
	s22 =	simm.s32 $0xABA0;
	s23 =	simm.s32 $0x2  }
0x2c: {  	[spmem:s2] =	stream.indirect.scatter.add.f32 [tilespmem:s22], [sflag:$0x2], $0x1, s13, s21, $0xb8;
	[tilespmem:$0xD100] =	vst v63  }
0x2d: {  	_ =	swait.ge [sflag:s23], $0x1860  }
0x2e: {  	[sflag:s23] =	ssyncset.done $0x0  }
0x2f: {  	[sflag:s23] =	ssyncadd.s32 $0xFFFFE7A0  }
0x30: {  	_ =	swait.ge [sflag:s23], $0x1860  }
0x31: {  	[sflag:s23] =	ssyncset.done $0x0  }
0x32: {  	s26 =	smul.u32 $0x1900, s0;
	[sflag:s23] =	ssyncadd.s32 $0xFFFFE7A0  }
0x33: {  	s28 =	sshll.u32 s25, $0x7;
	s25 =	ssub.s32 $0x2, s25;
	_ =	swait.ge [sflag:s23], $0x1860  }
0x34: {  	s26 =	sor.u32 s28, s26;
	s28 =	sshrl.u32 s25, $0x1;
	[sflag:s23] =	ssyncset.done $0x0  }
0x35: {  	s25 =	ssub.s32 s25, s28;
	[sflag:s23] =	ssyncadd.s32 $0xFFFFE7A0  }
0x36: {  	s26 =	sshrl.u32 s26, $0x3;
	s28 =	smax.u32 s25, $0x1;
	_ =	swait.ge [sflag:s23], $0x1888  }
0x37: {  	s25 =	simm.s32 $0x20;
	p0 =	sne.s32 s28, $0x1;
	[sflag:s23] =	ssyncset.done $0x0  }
.Ltmp0:
0x38: {  	s24 =	sadd.s32 s26, s24;
	[sflag:s23] =	ssyncadd.s32 $0xFFFFE778;
	(pc) =	sbr.rel @!p0 .LBB2_2-.Ltmp0, $4  }
0x39: {  	s26 =	simm.s32 $0x10;
	s24 =	sadd.s32 $0x34800, s24;
	[bflag:$0x0] =	sbarrier.arrive $0xFFFF  }
0x3a: {  	[hbm:s24@s25], [sflag:s12] =	dma.strided [spmem:s16@s26], $0x190, s17, $0x10   }
0x3b: {  	_ =	swait.ge [sflag:s15], $0x190  }
0x3c: {  	s28 =	sadd.s32 $0xFFFFFFFF, s28;
	[sflag:s15] =	ssyncset.done $0x0  }
.LBB2_1:
0x3d: {  	p0 =	sne.s32 s28, $0x1;
	s28 =	sadd.s32 $0xFFFFFFFF, s28;
	[sflag:s15] =	ssyncadd.s32 $0xFFFFFE70  }
0x3e: {  	[tilespmem:s3], [sflag:$0x1] =	stream.linear.gather [hbm4b:s4+s3], $0x1860, $0x38;
	[tilespmem:$0xD100] =	vst v63  }
0x3f: {  	_ = 	snop  }
0x40: {  	[tilespmem:s9], [sflag:$0x1] =	stream.linear.gather [hbm4b:s5+s3], $0x1860, $0x38;
	[tilespmem:$0xD100] =	vst v63  }
0x41: {  	_ = 	snop  }
0x42: {  	[tilespmem:s10], [sflag:$0x1] =	stream.linear.gather [hbm4b:s6+s3], $0x1860, $0x38;
	[tilespmem:$0xD100] =	vst v63  }
0x43: {  	_ = 	snop  }
0x44: {  	[tilespmem:s13], [sflag:$0x1] =	stream.linear.gather [hbm4b:s7+s3], $0x1888, $0x38;
	[tilespmem:$0xD100] =	vst v63  }
0x45: {  	_ = 	snop  }
0x46: {  	[tilespmem:s14], [sflag:$0x1] =	stream.linear.gather [hbm4b:s8+s3], $0x61A8, $0x38;
	[tilespmem:$0xD100] =	vst v63  }
0x47: {  	[spmem:s16], [sflag:s12] =	dma.local [hbm:s11], $0x190  }
0x48: {  	_ =	swait.ge [sflag:s15], $0x190  }
0x49: {  	[sflag:s15] =	ssyncset.done $0x0  }
0x4a: {  	[sflag:s15] =	ssyncadd.s32 $0xFFFFFE70  }
0x4b: {  	_ =	swait.ge [sflag:s17], $0x1860  }
0x4c: {  	[sflag:s17] =	ssyncset.done $0x0  }
0x4d: {  	[sflag:s17] =	ssyncadd.s32 $0xFFFFE7A0  }
0x4e: {  	_ =	swait.ge [sflag:s17], $0x1860  }
0x4f: {  	[sflag:s17] =	ssyncset.done $0x0  }
0x50: {  	[sflag:s17] =	ssyncadd.s32 $0xFFFFE7A0  }
0x51: {  	_ =	swait.ge [sflag:s17], $0x1860  }
0x52: {  	[sflag:s17] =	ssyncset.done $0x0  }
0x53: {  	[sflag:s17] =	ssyncadd.s32 $0xFFFFE7A0  }
0x54: {  	_ =	swait.ge [sflag:s17], $0x1888  }
0x55: {  	[sflag:s17] =	ssyncset.done $0x0  }
0x56: {  	[sflag:s17] =	ssyncadd.s32 $0xFFFFE778  }
0x57: {  	_ =	swait.ge [sflag:s17], $0x61A8  }
0x58: {  	[sflag:s17] =	ssyncset.done $0x0  }
0x59: {  	[sflag:s17] =	ssyncadd.s32 $0xFFFF9E58  }
0x5a: {  	[bflag:$0x0] =	sbarrier.arrive $0xFFFF  }
0x5b: {  	[spmem:s2] =	stream.indirect.scatter.add.f32 [tilespmem:s14], [sflag:$0x2], $0x1, s3, s18, $0xb8;
	[tilespmem:$0xD100] =	vst v63  }
0x5c: {  	_ = 	snop  }
0x5d: {  	[spmem:s2] =	stream.indirect.scatter.add.f32 [tilespmem:s19], [sflag:$0x2], $0x1, s9, s18, $0xb8;
	[tilespmem:$0xD100] =	vst v63  }
0x5e: {  	_ = 	snop  }
0x5f: {  	[spmem:s2] =	stream.indirect.scatter.add.f32 [tilespmem:s20], [sflag:$0x2], $0x1, s10, s18, $0xb8;
	[tilespmem:$0xD100] =	vst v63  }
0x60: {  	_ = 	snop  }
0x61: {  	[spmem:s2] =	stream.indirect.scatter.add.f32 [tilespmem:s22], [sflag:$0x2], $0x1, s13, s21, $0xb8;
	[tilespmem:$0xD100] =	vst v63  }
0x62: {  	_ =	swait.ge [sflag:s23], $0x1860  }
0x63: {  	[sflag:s23] =	ssyncset.done $0x0  }
0x64: {  	[sflag:s23] =	ssyncadd.s32 $0xFFFFE7A0  }
0x65: {  	_ =	swait.ge [sflag:s23], $0x1860  }
0x66: {  	[sflag:s23] =	ssyncset.done $0x0  }
0x67: {  	[sflag:s23] =	ssyncadd.s32 $0xFFFFE7A0  }
0x68: {  	_ =	swait.ge [sflag:s23], $0x1860  }
0x69: {  	[sflag:s23] =	ssyncset.done $0x0  }
0x6a: {  	[sflag:s23] =	ssyncadd.s32 $0xFFFFE7A0  }
0x6b: {  	_ =	swait.ge [sflag:s23], $0x1888  }
0x6c: {  	[sflag:s23] =	ssyncset.done $0x0  }
.Ltmp1:
0x6d: {  	[sflag:s23] =	ssyncadd.s32 $0xFFFFE778;
	(pc) =	sbr.rel @p0 .LBB2_1-.Ltmp1, $4  }
0x6e: {  	[bflag:$0x0] =	sbarrier.arrive $0xFFFF  }
0x6f: {  	[hbm:s24@s25], [sflag:s12] =	dma.strided [spmem:s16@s26], $0x190, s17, $0x10   }
0x70: {  	_ =	swait.ge [sflag:s15], $0x190  }
0x71: {  	[sflag:s15] =	ssyncset.done $0x0  }
.LBB2_2:
0x72: {  	[sflag:s15] =	ssyncadd.s32 $0xFFFFFE70  }
0x73: {  	_ =	sfence.sel $0x180000  }
0x74: {  	[bflag:$0x0] =	sbarrier.arrive $0xFFFF  }
0x75: {  	p0 =	sne.s32 s0, $0x0;
	_ =	strace $0x90000047  }
0x76: {  	s0 =	sadd.s32 @!p0 $0x100000, s1;
	[bflag:$0x2] =	sbarrier.arrive $0xFFFF  }
0x77: {  	[sflag:s0] =	ssyncadd.tile.s32 @!p0 $0x1;
	_ =	shalt  }
.Lfunc_end2:
_tile_overlayer_lowered:
.L_overlay_start_2:
0x78: {  	(tag) =	ssettag $0x2  }
0x79: {  	s0 =	rddreg [dreg:$0x0];
	s2 =	stileid.u32  }
0x7a: {  	s1 =	rddreg [dreg:$0x1];
	p0 =	sne.s32 s2, $0x0  }
0x7b: {  	s3 =	rddreg [dreg:$0x2];
	[bflag:$0x3] =	sbarrier.arrive $0xFFFF;
	s2 =	simm.s32 @!p0 $0x1C03  }
0x7c: {  	[timem:s3], [sflag:s2] =	dma.local @!p0 [hbm:s0], s1  }
0x7d: {  	s0 =	simm.s32 @!p0 $0x3  }
0x7e: {  	_ =	swait.ge @!p0 [sflag:s0], s1  }
0x7f: {  	s1 =	ssub.s32 @!p0 $0x0, s1;
	[sflag:s0] =	ssyncset.done @!p0 $0x0  }
0x80: {  	[sflag:s0] =	ssyncadd.s32 @!p0 s1  }
0x81: {  	[bflag:$0x3] =	sbarrier.arrive $0xFFFF  }
0x82: {  	_ =	shalt  }

// kernel: kernel.8.cloned.1.call-start
scs
__scs_entry_jumppad:
0x0: {  	(pc) =	sbr.rel $0x88, $3  }
0x1: {  	(tag) =	ssettag $0x0;
	lr =	simm.s32 $0x1  }
0x2: {  	[smem:$0x3F94] =	sst lr;
	_ =	strace $0xD0000000  }
0x3: {  	_ = 	snop  }
0x4: {  	_ = 	snop  }
0x5: {  	_ = 	snop  }
0x6: {  	_ = 	snop  }
0x7: {  	_ = 	snop  }
__scs_overlays_trampoline_lowered:
0x8: {  	[smem:$0x3FA3] =	sst s0  }
0x9: {  	[smem:$0x3FA4] =	sst s1  }
0xa: {  	[smem:$0x3FA5] =	sst s2  }
0xb: {  	[smem:$0x3FA6] =	sst s3  }
0xc: {  	[smem:$0x3FA7] =	sst s4  }
0xd: {  	[smem:$0x3FA8] =	sst s5  }
0xe: {  	[smem:$0x3FA9] =	sst s6  }
0xf: {  	[smem:$0x3FAA] =	sst s7  }
0x10: {  	[smem:$0x3FAB] =	sst s8  }
0x11: {  	[smem:$0x3FAC] =	sst s9;
	s0 =	simm.s32 @!p0 $0x0  }
0x12: {  	s1 =	sld [smem:$0x3F92];
	s0 =	simm.s32 @p0 $0x1  }
0x13: {  	[smem:$0x3FAD] =	sst s0;
	s0 =	simm.s32 @!p1 $0x0  }
0x14: {  	s2 =	sld [smem:$0x3F91];
	s0 =	simm.s32 @p1 $0x1  }
0x15: {  	[smem:$0x3FAE] =	sst s0;
	s0 =	simm.s32 @!p2 $0x0  }
0x16: {  	s3 =	sld [smem:$0x3FDB];
	s0 =	simm.s32 @p2 $0x1  }
0x17: {  	s4 =	simm.s32 $0x1BF5;
	[smem:$0x3FB0] =	sst s0  }
0x18: {  	s0 =	sld [smem:$0x3F93];
	_ =	swait.ge [sflag:s4], $0x0  }
0x19: {  	s7 =	sld [smem:$0x3F94]  }
0x1a: {  	s8 =	sadd.s32 $0xFFFFE003, lr  }
0x1b: {  	s9 =	sadd.s32 $0xFFFFFEF7, lr;
	s5 =	simm.s32 $0xFFFFFFFF;
	p2 =	slt.u32 s8, $0xFFFFF086  }
0x1c: {  	p1 =	slt.u32 s9, $0xF7A;
	s5 =	simm.s32 @!p2 $0x0  }
0x1d: {  	s5 =	simm.s32 @p1 $0x1;
	p0 =	seq.s32 s7, s2  }
0x1e: {  	s7 =	smul.u32 @!p0 $0xF7A, s2;
	p2 =	seq.s32 @!p0 s5, $0x0  }
0x1f: {  	s9 =	smul.u32 $0xF7A, s1;
	s8 =	simm.s32 @!p0 $0x1BF5;
	p2 =	por !p2, p0  }
0x20: {  	[sflag:s8] =	ssyncset.s32 @!p0 $0xFFFFF086;
	s6 =	sadd.s32 @!p0 s3, s7;
	s7 =	simm.s32 @!p0 $0x108  }
0x21: {  	s3 =	sadd.s32 s3, s9;
	s6 =	sadd.s32 @!p0 $0x88, s6;
	s7 =	simm.s32 @p2 $0x1082  }
0x22: {  	[simem:s7], [sflag:s8] =	dma.local @!p0 [hbm:s6], $0xF7A  }
0x23: {  	s9 =	sor.u32 $0xD0000000, s2;
	s6 =	simm.s32 $0x108;
	_ =	swait.ge @!p0 [sflag:s8], $0x0  }
0x24: {  	s3 =	sadd.s32 $0x88, s3;
	s6 =	simm.s32 @!p1 $0x1082;
	[sflag:s4] =	ssyncset.s32 $0xFFFFF086  }
0x25: {  	[simem:s6], [sflag:s4] =	dma.local [hbm:s3], $0xF7A  }
0x26: {  	[smem:$0x3F94] =	sst s1;
	(tag) =	ssettag s2;
	_ =	strace s9  }
0x27: {  	s1 =	sld [smem:$0x3FA4]  }
0x28: {  	s2 =	sld [smem:$0x3FA5]  }
0x29: {  	s4 =	sld [smem:$0x3FA7]  }
0x2a: {  	p0 =	seq.s32 s5, $0x0;
	s5 =	sld [smem:$0x3FA8]  }
0x2b: {  	s6 =	sld [smem:$0x3FA9]  }
0x2c: {  	s7 =	sld [smem:$0x3FAA]  }
0x2d: {  	s3 =	simm.s32 $0x108;
	s8 =	sld [smem:$0x3FAB]  }
0x2e: {  	s3 =	simm.s32 @!p0 $0x1082;
	s9 =	sld [smem:$0x3FAC]  }
0x2f: {  	lr =	sadd.s32 s0, s3;
	s0 =	sld [smem:$0x3FA3]  }
0x30: {  	s3 =	sld [smem:$0x3FA6]  }
0x31: {  	[smem:$0x3FAF] =	sst s10  }
0x32: {  	s10 =	sld [smem:$0x3FAD];
	_ =	sdelay $0x3  }
0x33: {  	p0 =	seq.s32 s10, $0x1;
	s10 =	sld [smem:$0x3FAF];
	_ =	sdelay $0x3  }
0x34: {  	[smem:$0x3FAF] =	sst s10  }
0x35: {  	s10 =	sld [smem:$0x3FAE];
	_ =	sdelay $0x3  }
0x36: {  	p1 =	seq.s32 s10, $0x1;
	s10 =	sld [smem:$0x3FAF];
	_ =	sdelay $0x3  }
0x37: {  	[smem:$0x3FAF] =	sst s10  }
0x38: {  	s10 =	sld [smem:$0x3FB0]  }
0x39: {  	_ = 	snop;
	(pc) =	sbr.ind lr, $3  }
0x3a: {  	_ = 	snop  }
0x3b: {  	_ = 	snop  }
0x3c: {  	p2 =	seq.s32 s10, $0x1;
	s10 =	sld [smem:$0x3FAF]  }
0x3d: {  	_ =	shalt  }
0x3e: {  	_ =	shalt  }
0x3f: {  	_ =	shalt  }
0x40: {  	_ =	shalt  }
0x41: {  	_ =	shalt  }
0x42: {  	_ =	shalt  }
0x43: {  	_ =	shalt  }
0x44: {  	_ =	shalt  }
0x45: {  	_ =	shalt  }
0x46: {  	_ =	shalt  }
0x47: {  	_ =	shalt  }
0x48: {  	_ =	shalt  }
0x49: {  	_ =	shalt  }
0x4a: {  	_ =	shalt  }
0x4b: {  	_ =	shalt  }
0x4c: {  	_ =	shalt  }
0x4d: {  	_ =	shalt  }
0x4e: {  	_ =	shalt  }
0x4f: {  	_ =	shalt  }
0x50: {  	_ =	shalt  }
0x51: {  	_ =	shalt  }
0x52: {  	_ =	shalt  }
0x53: {  	_ =	shalt  }
0x54: {  	_ =	shalt  }
0x55: {  	_ =	shalt  }
0x56: {  	_ =	shalt  }
0x57: {  	_ =	shalt  }
0x58: {  	_ =	shalt  }
0x59: {  	_ =	shalt  }
0x5a: {  	_ =	shalt  }
0x5b: {  	_ =	shalt  }
0x5c: {  	_ =	shalt  }
0x5d: {  	_ =	shalt  }
0x5e: {  	_ =	shalt  }
0x5f: {  	_ =	shalt  }
0x60: {  	_ =	shalt  }
0x61: {  	_ =	shalt  }
0x62: {  	_ =	shalt  }
0x63: {  	_ =	shalt  }
0x64: {  	_ =	shalt  }
0x65: {  	_ =	shalt  }
0x66: {  	_ =	shalt  }
0x67: {  	_ =	shalt  }
0x68: {  	_ =	shalt  }
0x69: {  	_ =	shalt  }
0x6a: {  	_ =	shalt  }
0x6b: {  	_ =	shalt  }
0x6c: {  	_ =	shalt  }
0x6d: {  	_ =	shalt  }
0x6e: {  	_ =	shalt  }
0x6f: {  	_ =	shalt  }
0x70: {  	_ =	shalt  }
0x71: {  	_ =	shalt  }
0x72: {  	_ =	shalt  }
0x73: {  	_ =	shalt  }
0x74: {  	_ =	shalt  }
0x75: {  	_ =	shalt  }
0x76: {  	_ =	shalt  }
0x77: {  	_ =	shalt  }
0x78: {  	_ =	shalt  }
0x79: {  	_ =	shalt  }
0x7a: {  	_ =	shalt  }
0x7b: {  	_ =	shalt  }
0x7c: {  	_ =	shalt  }
0x7d: {  	_ =	shalt  }
0x7e: {  	_ =	shalt  }
0x7f: {  	_ =	shalt  }
0x80: {  	_ =	shalt  }
0x81: {  	_ =	shalt  }
0x82: {  	_ =	shalt  }
0x83: {  	_ =	shalt  }
0x84: {  	_ =	shalt  }
0x85: {  	_ =	shalt  }
0x86: {  	_ =	shalt  }
0x87: {  	_ =	shalt  }
.Lfunc_end0:
.L_simem_size_0:
called_computation.1_lowered:
.L_overlay_start_0:
0x88: {  	s2 =	sld [smem:$0x3FD9]  }
0x89: {  	s3 =	sld [smem:$0x3FFE];
	_ =	sdelay $0x1  }
0x8a: {  	s1 =	srdreg.scid  }
0x8b: {  	s0 =	sand.u32 $0x1, s1  }
0x8c: {  	s17 =	sshll.u32 s0, $0xA;
	s2 =	sadd.s32 s3, s2  }
0x8d: {  	s2 =	sadd.s32 s2, s17  }
0x8e: {  	[smem:$0x3FBB] =	sst s2  }
0x8f: {  	_ = 	snop  }
0x90: {  	s2 =	sld [smem:$0x3FC7];
	(tm) =	ssettm $0x1  }
0x91: {  	s18 =	sld [smem:$0x3FFB];
	_ =	sdelay $0x3  }
0x92: {  	_ =	strace s18  }
0x93: {  	s3 =	sld [smem:$0x3FFC];
	_ =	sdelay $0x3  }
0x94: {  	_ =	strace s3  }
0x95: {  	s3 =	sld [smem:$0x3FFD];
	_ =	sdelay $0x3  }
0x96: {  	_ =	strace s3  }
0x97: {  	_ =	strace $0x8FFFFFFF  }
0x98: {  	s19 =	sld [smem:$0x3FDB];
	_ =	sdelay $0x1  }
0x99: {  	s4 =	simm.s32 $_scs_section_size  }
0x9a: {  	s5 =	simm.s32 $_size__tile_overlayer_lowered;
	s6 =	simm.s32 $_tile_overlayer_lowered  }
0x9b: {  	s22 =	simm.s32 $0x1BFF;
	s21 =	sshll.u32 s6, $0x1;
	s3 =	sadd.s32 s4, s19  }
0x9c: {  	s7 =	simm.s32 $0x0;
	s20 =	sshll.u32 s5, $0x1;
	s5 =	sadd.s32 s21, s3  }
0x9d: {  	[timem:s7], [sflag:s22] =	dma.local [hbm:s5], s20  }
0x9e: {  	_ =	swait.ge [sflag:s22], s20  }
0x9f: {  	s4 =	ssub.s32 $0x0, s20;
	[sflag:s22] =	ssyncset.done $0x0  }
0xa0: {  	[sflag:s22] =	ssyncadd.s32 s4;
	_ =	sdelay $0x1  }
0xa1: {  	s23 =	simm.s32 $0x1B8B  }
0xa2: {  	_ =	swait.ge [sflag:s23], $0x1  }
0xa3: {  	[sflag:s23] =	ssyncset.done $0x0  }
0xa4: {  	s25 =	simm.s32 $0x1B8E;
	s24 =	sld [smem:$0x3FFE];
	[sflag:s23] =	ssyncadd.s32 $0xFFFFFFFF  }
0xa5: {  	s26 =	simm.s32 $execute0_lowered;
	[smem:$0x3FD2] =	sst s25  }
0xa6: {  	s5 =	sshll.u32 s26, $0x1;
	_ =	strace $0x80000049;
	[dreg:$0x1] =	wrdreg $0xFFFFFFFF  }
0xa7: {  	s28 =	simm.s32 $_size_execute0_lowered;
	s3 =	sadd.s32 s3, s5;
	[dreg:$0x0] =	wrdreg $0x0  }
0xa8: {  	s5 =	sshll.u32 s28, $0x1;
	[dreg:$0x2] =	wrdreg s3  }
0xa9: {  	[dreg:$0x3] =	wrdreg s5  }
0xaa: {  	[dreg:$0x4] =	wrdreg $0xC0  }
0xab: {  	_ =	task [dreg:s7], $0x5FFFF  }
0xac: {  	[dreg:$0x1] =	wrdreg $0xFFFFFFFF  }
0xad: {  	[dreg:$0x0] =	wrdreg $0x60  }
0xae: {  	[dreg:$0x2] =	wrdreg s24  }
0xaf: {  	[dreg:$0x3] =	wrdreg s2  }
0xb0: {  	[dreg:$0x4] =	wrdreg $0x1D5800  }
0xb1: {  	[dreg:$0x5] =	wrdreg $0x1C9000  }
0xb2: {  	[dreg:$0x6] =	wrdreg $0x9  }
0xb3: {  	_ =	task.clear_ibuf [dreg:s7], $0x7FFFF;
	_ =	strace $0x90000049  }
0xb4: {  	s29 =	simm.s32 $0x9;
	_ =	strace $0x8000004B  }
0xb5: {  	_ =	swait.ge [sflag:s29], $0x1  }
0xb6: {  	[sflag:s29] =	ssyncadd.s32 $0xFFFFFFFF  }
0xb7: {  	_ =	strace $0x9000004B  }
0xb8: {  	_ =	sfence  }
0xb9: {  	s30 =	sld [smem:$0x0];
	_ =	sdelay $0x2  }
0xba: {  	s31 =	sshll.u32 s1, $0xD;
	s1 =	sshrl.u32 s1, $0x2  }
0xbb: {  	s3 =	sand.u32 $0x4000, s31;
	s1 =	sadd.s32 s1, s30  }
0xbc: {  	s0 =	sor.u32 s3, s0;
	s1 =	sshll.u32 s1, $0x11  }
0xbd: {  	s0 =	sor.u32 s1, s0  }
0xbe: {  	s0 =	sadd.s32 $0x8F2B, s0  }
0xbf: {  	[sflag:s0] =	ssyncadd.remote.s32 $0x1  }
0xc0: {  	_ =	sfence.sel $0xFFFF  }
0xc1: {  	[dreg:$0x0] =	wrdreg $0xFFFFFFFF;
	(pc) =	sbr.abs _section_cstart, $3  }
0xc2: {  	[dreg:$0x1] =	wrdreg $0xFFFFFFFF  }
0xc3: {  	_ =	task.clear_ibuf [dreg:s7], $0x2FFFF;
	_ =	strace $0x9FFFFFFF  }
0xc4: {  	(tm) =	ssettm $0x7FFFFFFF  }
0xc5: {  	_ =	shalt  }
tec
execute0_lowered:
.L_overlay_start_1:
0x0: {  	(tag) =	ssettag $0x1  }
0x1: {  	s0 =	rddreg [dreg:$0x0]  }
0x2: {  	s1 =	rddreg [dreg:$0x1]  }
0x3: {  	s3 =	srdreg.scid;
	s13 =	stileid.u32  }
0x4: {  	s2 =	rddreg [dreg:$0x2];
	s28 =	simm.s32 $0x80;
	s29 =	simm.s32 $0x100  }
0x5: {  	s30 =	simm.s32 $0x1860;
	s31 =	simm.s32 $0x12680;
	s5 =	sand.u32 $0x1, s3  }
0x6: {  	s4 =	sshll.u32 s13, $0x1;
	s3 =	rddreg [dreg:$0x3];
	s7 =	smul.u32 $0x1900, s13  }
0x7: {  	s10 =	smul.u32 $0xC80, s13;
	s20 =	sshll.u32 s13, $0x6;
	s6 =	sor.u32 s5, s4  }
0x8: {  	s4 =	simm.s32 $0x0;
	s9 =	sshll.u32 s5, $0x7;
	s12 =	ssub.s32 $0x2, s5  }
0x9: {  	s13 =	sor.u32 $0x1C06, s20;
	p0 =	sne.s32 s5, $0x0;
	s5 =	simm.s32 $0x15880  }
0xa: {  	s6 =	smul.u32 $0x61A8, s6;
	[smem:$0x7FF] =	sst s4;
	s8 =	sshrl.u32 s7, $0x3  }
0xb: {  	s7 =	sor.u32 s9, s7;
	s26 =	sshrl.u32 s10, $0x3;
	s14 =	sshrl.u32 s12, $0x1  }
0xc: {  	s19 =	sadd.s32 s10, s2;
	s25 =	sadd.s32 s10, s3;
	s10 =	simm.s32 $0x5  }
0xd: {  	_ =	strace $0x8000004A;
	s8 =	sadd.s32 s8, s0;
	[dreg:$0xb] =	wrdreg s19  }
0xe: {  	s7 =	sshrl.u32 s7, $0x3;
	s9 =	ssub.s32 s12, s14;
	[dreg:$0x10] =	wrdreg s25  }
0xf: {  	s19 =	simm.s32 $0x6280;
	s6 =	sshrl.u32 s6, $0x3;
	s22 =	sadd.s32 $0x34800, s8  }
0x10: {  	s7 =	sadd.s32 s7, s0;
	s23 =	sadd.s32 $0x34810, s8;
	[dreg:$0xd] =	wrdreg s22  }
0x11: {  	s11 =	sadd.s32 s6, s0;
	s1 =	sadd.s32 s1, s6;
	[dreg:$0xe] =	wrdreg s23  }
0x12: {  	s0 =	sadd.s32 s26, s0;
	s26 =	sadd.s32 $0x39400, s7;
	[dreg:$0xa] =	wrdreg s1  }
0x13: {  	s25 =	simm.s32 $0x1;
	s15 =	sadd.s32 $0x1A6A0, s11;
	[dreg:$0x12] =	wrdreg s26  }
0x14: {  	s20 =	smax.u32 s9, $0x1;
	s16 =	sadd.s32 $0x1A9AC, s11;
	[dreg:$0x5] =	wrdreg s15  }
0x15: {  	s8 =	simm.s32 $0x1888;
	s17 =	sadd.s32 $0x1ACB8, s11;
	[dreg:$0x6] =	wrdreg s16  }
0x16: {  	s9 =	simm.s32 $0x4;
	s18 =	sadd.s32 $0x1AFC4, s11;
	[dreg:$0x7] =	wrdreg s17  }
0x17: {  	s6 =	simm.s32 $0x3;
	s11 =	sadd.s32 $0x2000, s11;
	[dreg:$0x8] =	wrdreg s18  }
0x18: {  	s7 =	simm.s32 $0x17180;
	s21 =	sadd.s32 $0x32E00, s0;
	[dreg:$0x9] =	wrdreg s11  }
0x19: {  	s24 =	sadd.s32 $0x37A00, s0;
	s0 =	sadd.s32 $0x3C600, s0;
	[dreg:$0xc] =	wrdreg s21  }
0x1a: {  	s26 =	simm.s32 $0x6;
	s1 =	simm.s32 $0x2;
	[dreg:$0xf] =	wrdreg s24  }
0x1b: {  	[dreg:$0x11] =	wrdreg s0;
	s17 =	simm.s32 $0x1880;
	s18 =	simm.s32 $0x3100  }
0x1c: {  	s15 =	simm.s32 $0x4980;
	s0 =	simm.s32 $0x13F80;
	s11 =	simm.s32 $0x0  }
.LBB2_1:
0x1d: {  	s12 =	rddreg [dreg:$0x5]  }
0x1e: {  	s22 =	rddreg [dreg:$0x6]  }
0x1f: {  	s23 =	rddreg [dreg:$0x7]  }
0x20: {  	[tilespmem:s4], [sflag:$0x1] =	stream.linear.gather [hbm4b:s12+s4], $0x1860, $0x38;
	[tilespmem:$0x1E200] =	vst v63  }
0x21: {  	s24 =	rddreg [dreg:$0x8]  }
0x22: {  	[tilespmem:s17], [sflag:$0x1] =	stream.linear.gather [hbm4b:s22+s4], $0x1860, $0x38;
	[tilespmem:$0x1E200] =	vst v63  }
0x23: {  	s14 =	rddreg [dreg:$0x9]  }
0x24: {  	[tilespmem:s18], [sflag:$0x1] =	stream.linear.gather [hbm4b:s23+s4], $0x1860, $0x38;
	[tilespmem:$0x1E200] =	vst v63  }
0x25: {  	s16 =	rddreg [dreg:$0xb]  }
0x26: {  	[tilespmem:s15], [sflag:$0x1] =	stream.linear.gather [hbm4b:s24+s4], $0x1888, $0x38;
	[tilespmem:$0x1E200] =	vst v63  }
0x27: {  	s17 =	rddreg [dreg:$0xc]  }
0x28: {  	[tilespmem:s19], [sflag:$0x1] =	stream.linear.gather [hbm4b:s14+s4], $0x61A8, $0x38;
	[tilespmem:$0x1E200] =	vst v63  }
0x29: {  	s12 =	sshrl.u32 s16, $0x3;
	s15 =	rddreg [dreg:$0xa];
	s14 =	simm.s32 $0xC480  }
0x2a: {  	[tilespmem:s14], [sflag:$0x1] =	stream.linear.gather [hbm4b:s15+s4], $0x61A8, $0x38;
	[tilespmem:$0x1E200] =	vst v63  }
0x2b: {  	[spmem:s12], [sflag:s13] =	dma.local [hbm:s17], $0x190  }
0x2c: {  	_ =	swait.ge [sflag:s26], $0x190  }
0x2d: {  	[sflag:s26] =	ssyncset.done $0x0  }
0x2e: {  	s19 =	simm.s32 $0x18A80;
	s18 =	rddreg [dreg:$0xd];
	[sflag:s26] =	ssyncadd.s32 $0xFFFFFE70  }
0x2f: {  	[tilespmem:s19], [sflag:$0x6] =	stream.strided.gather [hbm4b:s18+s28], $0xC80, s29, s28, $0x38;
	[tilespmem:$0x1E200] =	vst v63  }
0x30: {  	_ =	swait.ge [sflag:s26], $0xC80  }
0x31: {  	[sflag:s26] =	ssyncset.done $0x0  }
0x32: {  	s22 =	simm.s32 $0x19700;
	s21 =	rddreg [dreg:$0xe];
	[sflag:s26] =	ssyncadd.s32 $0xFFFFF380  }
0x33: {  	[tilespmem:s22], [sflag:$0x6] =	stream.strided.gather [hbm4b:s21+s28], $0xC80, s29, s28, $0x38;
	[tilespmem:$0x1E200] =	vst v63  }
0x34: {  	_ =	swait.ge [sflag:s26], $0xC80  }
0x35: {  	[sflag:s26] =	ssyncset.done $0x0  }
0x36: {  	s24 =	simm.s32 $0x1A380;
	s23 =	rddreg [dreg:$0xf];
	[sflag:s26] =	ssyncadd.s32 $0xFFFFF380  }
0x37: {  	[tilespmem:s24], [sflag:$0x6] =	stream.linear.gather [hbm4b:s23+s4], $0xC80, $0x38;
	[tilespmem:$0x1E200] =	vst v63  }
0x38: {  	_ =	swait.ge [sflag:s26], $0xC80  }
0x39: {  	[sflag:s26] =	ssyncset.done $0x0  }
0x3a: {  	s16 =	simm.s32 $0x0;
	[sflag:s26] =	ssyncadd.s32 $0xFFFFF380  }
0x3b: {  	v0 =	vld [tilespmem:s16+$0x18A80]  }
0x3c: {  	v1 =	vld [tilespmem:s16+$0x19700];
	_ =	sdelay $0x3  }
0x3d: {  	s14 =	simm.s32 $0x10  }
0x3e: {  	v2 =	vld [tilespmem:s14+$0x18A80];
	v0 =	vadd.f32 v1, v0  }
0x3f: {  	v1 =	vld [tilespmem:s14+$0x19700]  }
0x40: {  	v0 =	vadd.f32 $1.000000000e+00, v0;
	_ =	sdelay $0x1  }
0x41: {  	s15 =	simm.s32 $0x20;
	v3 =	vshra.s32 v0, $0x1;
	v4 =	vmul.f32 $5.000000000e-01, v0  }
0x42: {  	v5 =	vld [tilespmem:s15+$0x19700];
	v0 =	vsub.s32 $0x5F3759DF, v3  }
0x43: {  	v3 =	vld [tilespmem:s15+$0x18A80];
	v1 =	vadd.f32 v1, v2;
	v2 =	vmul.f32 v0, v4;
	_ =	sdelay $0x1  }
0x44: {  	v1 =	vadd.f32 $1.000000000e+00, v1;
	v2 =	vmul.f32 v0, v2;
	_ =	sdelay $0x1  }
0x45: {  	s21 =	simm.s32 $0x30;
	v6 =	vshra.s32 v1, $0x1;
	v7 =	vmul.f32 $5.000000000e-01, v1;
	v1 =	vsub.f32 $1.500000000e+00, v2  }
0x46: {  	v8 =	vld [tilespmem:s21+$0x19700];
	v2 =	vsub.s32 $0x5F3759DF, v6;
	v3 =	vadd.f32 v5, v3  }
0x47: {  	v6 =	vld [tilespmem:s21+$0x18A80];
	v5 =	vmul.f32 v2, v7;
	v1 =	vmul.f32 v0, v1  }
0x48: {  	s22 =	simm.s32 $0x40;
	v0 =	vadd.f32 $1.000000000e+00, v3  }
0x49: {  	v10 =	vld [tilespmem:s22+$0x18A80];
	v3 =	vmul.f32 v2, v5;
	v5 =	vmul.f32 v1, v4  }
0x4a: {  	v11 =	vld [tilespmem:s22+$0x19700];
	v9 =	vshra.s32 v0, $0x1;
	v0 =	vmul.f32 $5.000000000e-01, v0  }
0x4b: {  	v3 =	vsub.f32 $1.500000000e+00, v3;
	v9 =	vsub.s32 $0x5F3759DF, v9;
	v5 =	vmul.f32 v5, v1  }
0x4c: {  	v6 =	vadd.f32 v8, v6;
	v8 =	vmul.f32 v9, v0  }
0x4d: {  	v2 =	vmul.f32 v2, v3;
	v3 =	vsub.f32 $1.500000000e+00, v5  }
0x4e: {  	v5 =	vadd.f32 $1.000000000e+00, v6;
	v6 =	vmul.f32 v9, v8  }
0x4f: {  	v10 =	vadd.f32 v11, v10;
	v8 =	vmul.f32 v2, v7;
	v3 =	vmul.f32 v3, v1  }
0x50: {  	v12 =	vshra.s32 v5, $0x1;
	v1 =	vmul.f32 $5.000000000e-01, v5;
	v5 =	vsub.f32 $1.500000000e+00, v6  }
0x51: {  	s23 =	simm.s32 $0x50;
	v15 =	vsub.s32 $0x5F3759DF, v12;
	v6 =	vmul.f32 v8, v2;
	v4 =	vmul.f32 v3, v4  }
0x52: {  	v13 =	vld [tilespmem:s23+$0x19700];
	v11 =	vmul.f32 v15, v1;
	v5 =	vmul.f32 v9, v5  }
0x53: {  	v8 =	vld [tilespmem:s23+$0x18A80];
	v12 =	vadd.f32 $1.000000000e+00, v10;
	v6 =	vsub.f32 $1.500000000e+00, v6;
	v9 =	vmul.f32 v4, v3  }
0x54: {  	v11 =	vmul.f32 v15, v11;
	v14 =	vmul.f32 v5, v0  }
0x55: {  	v4 =	vmul.f32 v6, v2;
	v2 =	vmul.f32 $5.000000000e-01, v12  }
0x56: {  	v6 =	vld [tilespmem:s16+$0x1A380];
	v10 =	vsub.f32 $1.500000000e+00, v9;
	v9 =	vshra.s32 v12, $0x1;
	v16 =	vsub.f32 $1.500000000e+00, v11  }
0x57: {  	s17 =	simm.s32 $0x60;
	v11 =	vmul.f32 v14, v5;
	v9 =	vsub.s32 $0x5F3759DF, v9;
	v12 =	vmul.f32 v4, v7  }
0x58: {  	s24 =	simm.s32 $0x1C0;
	v13 =	vadd.f32 v13, v8;
	v7 =	vld [tilespmem:s17+$0x18A80];
	v14 =	vmul.f32 v9, v2;
	v8 =	vmul.f32 v15, v16  }
.LBB2_2:
0x59: {  	p1 =	sne.s32 s24, $0x31C0;
	v15 =	vld [tilespmem:s17+$0x19700];
	v11 =	vsub.f32 $1.500000000e+00, v11;
	v12 =	vmul.f32 v12, v4;
	v16 =	vmul.f32 v10, v3;
	v3 =	vmovc v4;
	v17 =	vmovc v2;
	s18 =	smov.u32 s24;
	s24 =	sadd.s32 $0x40, s24  }
.Ltmp0:
0x5a: {  	v18 =	vmovc v9;
	s19 =	smov.u32 s23;
	s23 =	smov.u32 s17;
	v2 =	vadd.f32 $1.000000000e+00, v13;
	v13 =	vmul.f32 v9, v14;
	v14 =	vmul.f32 v8, v1;
	(pc) =	sbr.rel @p1 .LBB2_2-.Ltmp0, $4  }
0x5b: {  	v4 =	vmul.f32 v11, v5;
	v10 =	vsub.f32 $1.500000000e+00, v12;
	[tilespmem:s16+$0x1BC80] =	vst v16;
	v16 =	vmul.f32 v16, v6;
	v6 =	vld [tilespmem:s14+$0x1A380];
	v5 =	vmovc v8  }
0x5c: {  	v8 =	vshra.s32 v2, $0x1;
	v2 =	vmul.f32 $5.000000000e-01, v2;
	v19 =	vsub.f32 $1.500000000e+00, v13  }
0x5d: {  	s17 =	sshra.s32 s18, $0x2;
	v11 =	vmul.f32 v14, v5;
	v9 =	vsub.s32 $0x5F3759DF, v8;
	v12 =	vmul.f32 v4, v0;
	[tilespmem:s16+$0x1B000] =	vst v16;
	v0 =	vmovc v1;
	s16 =	smov.u32 s14;
	s14 =	smov.u32 s15  }
0x5e: {  	v1 =	vmovc v17;
	s15 =	smov.u32 s21;
	s21 =	smov.u32 s22;
	s22 =	smov.u32 s19;
	v13 =	vadd.f32 v15, v7;
	v7 =	vld [tilespmem:s17+$0x18A80];
	v14 =	vmul.f32 v9, v2;
	v8 =	vmul.f32 v18, v19  }
0x5f: {  	v15 =	vld [tilespmem:s17+$0x19700];
	_ =	sdelay $0x1  }
0x60: {  	v11 =	vsub.f32 $1.500000000e+00, v11;
	v12 =	vmul.f32 v12, v4;
	v3 =	vmul.f32 v10, v3  }
0x61: {  	v38 =	vadd.f32 $1.000000000e+00, v13;
	v39 =	vmul.f32 v9, v14;
	v40 =	vmul.f32 v8, v1  }
0x62: {  	v5 =	vmul.f32 v11, v5;
	v41 =	vsub.f32 $1.500000000e+00, v12;
	v6 =	vmul.f32 v3, v6  }
0x63: {  	v42 =	vshra.s32 v38, $0x1;
	v10 =	vmul.f32 $5.000000000e-01, v38;
	v7 =	vadd.f32 v15, v7  }
0x64: {  	v13 =	vsub.f32 $1.500000000e+00, v39;
	v14 =	vmul.f32 v40, v8;
	v12 =	vsub.s32 $0x5F3759DF, v42  }
0x65: {  	v46 =	vld [tilespmem:s14+$0x1A380];
	v0 =	vmul.f32 v5, v0;
	v48 =	vmul.f32 v41, v4;
	v7 =	vadd.f32 $1.000000000e+00, v7  }
0x66: {  	v43 =	vmul.f32 v12, v10;
	v44 =	vmul.f32 v9, v13  }
0x67: {  	v45 =	vsub.f32 $1.500000000e+00, v14;
	v16 =	vshra.s32 v7, $0x1;
	v7 =	vmul.f32 $5.000000000e-01, v7  }
0x68: {  	v0 =	vmul.f32 v0, v5;
	v15 =	vmul.f32 v12, v43;
	v16 =	vsub.s32 $0x5F3759DF, v16  }
0x69: {  	[tilespmem:s16+$0x1BC80] =	vst v3;
	v17 =	vmul.f32 v44, v2;
	v47 =	vmul.f32 v16, v7  }
0x6a: {  	[tilespmem:s16+$0x1B000] =	vst v6;
	v14 =	vmul.f32 v48, v46;
	v3 =	vmul.f32 v45, v8;
	v49 =	vsub.f32 $1.500000000e+00, v15  }
0x6b: {  	v51 =	vld [tilespmem:s15+$0x1A380];
	v0 =	vsub.f32 $1.500000000e+00, v0;
	v50 =	vmul.f32 v17, v44;
	v8 =	vmul.f32 v16, v47  }
0x6c: {  	v1 =	vmul.f32 v3, v1;
	v6 =	vmul.f32 v12, v49  }
0x6d: {  	v0 =	vmul.f32 v0, v5;
	v11 =	vsub.f32 $1.500000000e+00, v50;
	v8 =	vsub.f32 $1.500000000e+00, v8  }
0x6e: {  	v1 =	vmul.f32 v1, v3;
	v52 =	vmul.f32 v6, v10  }
0x6f: {  	[tilespmem:s14+$0x1BC80] =	vst v48;
	v53 =	vmul.f32 v11, v44;
	v8 =	vmul.f32 v16, v8  }
0x70: {  	[tilespmem:s14+$0x1B000] =	vst v14;
	v54 =	vmul.f32 v0, v51;
	v5 =	vmul.f32 v52, v6  }
0x71: {  	v55 =	vld [tilespmem:s21+$0x1A380];
	v2 =	vmul.f32 v53, v2;
	v56 =	vmul.f32 v8, v7  }
0x72: {  	[tilespmem:s15+$0x1BC80] =	vst v0;
	v1 =	vsub.f32 $1.500000000e+00, v1;
	v0 =	vsub.f32 $1.500000000e+00, v5  }
0x73: {  	[tilespmem:s15+$0x1B000] =	vst v54;
	v2 =	vmul.f32 v2, v53;
	v57 =	vmul.f32 v56, v8  }
0x74: {  	v1 =	vmul.f32 v1, v3;
	v3 =	vld [tilespmem:s22+$0x1A380];
	v0 =	vmul.f32 v0, v6  }
0x75: {  	v2 =	vsub.f32 $1.500000000e+00, v2;
	v5 =	vsub.f32 $1.500000000e+00, v57  }
0x76: {  	v58 =	vmul.f32 v1, v55;
	v59 =	vmul.f32 v0, v10  }
0x77: {  	[tilespmem:s21+$0x1BC80] =	vst v1;
	v1 =	vmul.f32 v2, v53;
	v2 =	vmul.f32 v5, v8  }
0x78: {  	v60 =	vmul.f32 v59, v0  }
0x79: {  	[tilespmem:s21+$0x1B000] =	vst v58;
	v3 =	vmul.f32 v1, v3;
	v62 =	vmul.f32 v2, v7  }
0x7a: {  	v61 =	vld [tilespmem:s23+$0x1A380];
	[tilespmem:s22+$0x1BC80] =	vst v1  }
0x7b: {  	v1 =	vsub.f32 $1.500000000e+00, v60;
	[tilespmem:s22+$0x1B000] =	vst v3;
	v3 =	vmul.f32 v62, v2  }
0x7c: {  	v63 =	vld [tilespmem:s17+$0x1A380]  }
0x7d: {  	v0 =	vmul.f32 v1, v0;
	v1 =	vsub.f32 $1.500000000e+00, v3;
	_ =	sdelay $0x1  }
0x7e: {  	v3 =	vmul.f32 v0, v61;
	v1 =	vmul.f32 v1, v2  }
0x7f: {  	[tilespmem:s23+$0x1BC80] =	vst v0  }
0x80: {  	[tilespmem:s23+$0x1B000] =	vst v3;
	v0 =	vmul.f32 v1, v63  }
0x81: {  	[tilespmem:s17+$0x1BC80] =	vst v1  }
0x82: {  	s22 =	rddreg [dreg:$0x10];
	s23 =	simm.s32 $0x1B000;
	[tilespmem:s17+$0x1B000] =	vst v0  }
0x83: {  	[spmem:s22] =	stream.linear.scatter [tilespmem:s23], [sflag:$0x6], $0xC80, $0x38;
	[tilespmem:$0x1E200] =	vst v63  }
0x84: {  	_ =	swait.ge [sflag:s26], $0xC80  }
0x85: {  	s14 =	simm.s32 @!p0 $0x0;
	[sflag:s26] =	ssyncset.done $0x0  }
0x86: {  	s15 =	simm.s32 @!p0 $0x1BC80;
	s16 =	rddreg [dreg:$0x11];
	[sflag:s26] =	ssyncadd.s32 $0xFFFFF380  }
0x87: {  	[hbm4b:s16+s14] =	stream.linear.scatter @!p0 [tilespmem:s15], [sflag:$0x6], $0xC80, $0x38;
	[tilespmem:$0x1E200] =	vst v63  }
0x88: {  	s14 =	simm.s32 @!p0 $0x6  }
0x89: {  	_ =	swait.ge @!p0 [sflag:s14], $0xC80  }
0x8a: {  	[sflag:s14] =	ssyncset.done @!p0 $0x0  }
0x8b: {  	[sflag:s14] =	ssyncadd.s32 @!p0 $0xFFFFF380  }
0x8c: {  	[bflag:$0x0] =	sbarrier.arrive $0xFFFF  }
0x8d: {  	_ =	swait.ge [sflag:s25], $0x1860  }
0x8e: {  	[sflag:s25] =	ssyncset.done $0x0  }
0x8f: {  	[sflag:s25] =	ssyncadd.s32 $0xFFFFE7A0  }
0x90: {  	_ =	swait.ge [sflag:s25], $0x1860  }
0x91: {  	[sflag:s25] =	ssyncset.done $0x0  }
0x92: {  	[sflag:s25] =	ssyncadd.s32 $0xFFFFE7A0  }
0x93: {  	_ =	swait.ge [sflag:s25], $0x1860  }
0x94: {  	[sflag:s25] =	ssyncset.done $0x0  }
0x95: {  	[sflag:s25] =	ssyncadd.s32 $0xFFFFE7A0  }
0x96: {  	_ =	swait.ge [sflag:s25], $0x1888  }
0x97: {  	[sflag:s25] =	ssyncset.done $0x0  }
0x98: {  	[sflag:s25] =	ssyncadd.s32 $0xFFFFE778  }
0x99: {  	_ =	swait.ge [sflag:s25], $0x61A8  }
0x9a: {  	[sflag:s25] =	ssyncset.done $0x0  }
0x9b: {  	[sflag:s25] =	ssyncadd.s32 $0xFFFF9E58  }
0x9c: {  	_ =	swait.ge [sflag:s25], $0x61A8  }
0x9d: {  	[sflag:s25] =	ssyncset.done $0x0  }
0x9e: {  	s19 =	simm.s32 $0x6280;
	[sflag:s25] =	ssyncadd.s32 $0xFFFF9E58  }
0x9f: {  	[tilespmem:s31], [sflag:$0x2] =	stream.indirect.gather [spmem:s3], $0x1, s19, s30, $0xb8;
	[tilespmem:$0x1E200] =	vst v63  }
0xa0: {  	s24 =	simm.s32 $0x7AE0  }
0xa1: {  	[tilespmem:s0], [sflag:$0x3] =	stream.indirect.gather [spmem:s3], $0x1, s24, s30, $0xb8;
	[tilespmem:$0x1E200] =	vst v63  }
0xa2: {  	_ =	swait.ge [sflag:s1], $0x1860  }
0xa3: {  	[sflag:s1] =	ssyncset.done $0x0  }
0xa4: {  	s14 =	simm.s32 $0x0;
	[sflag:s1] =	ssyncadd.s32 $0xFFFFE7A0  }
0xa5: {  	v0 =	vld [tilespmem:s14+$0xC480]  }
0xa6: {  	s15 =	simm.s32 $0x40;
	v1 =	vld [tilespmem:s14+$0x12680]  }
.LBB2_4:
0xa7: {  	_ = 	snop  }
0xa8: {  	p1 =	sne.s32 s15, $0x6140  }
.Ltmp1:
0xa9: {  	_ = 	snop;
	(pc) =	sbr.rel @p1 .LBB2_4-.Ltmp1, $4  }
0xaa: {  	_ = 	snop  }
0xab: {  	s16 =	sshra.s32 s15, $0x2;
	v2 =	vmul.f32 v1, v0  }
0xac: {  	v0 =	vld [tilespmem:s16+$0xC480]  }
0xad: {  	s15 =	sadd.s32 $0x40, s15;
	v1 =	vld [tilespmem:s16+$0x12680];
	[tilespmem:s14+$0x15880] =	vst v2;
	s14 =	smov.u32 s16  }
0xae: {  	_ =	sdelay $0x3  }
0xaf: {  	v0 =	vmul.f32 v1, v0;
	_ =	sdelay $0x1  }
0xb0: {  	s23 =	simm.s32 $0x0;
	[tilespmem:s14+$0x15880] =	vst v0  }
0xb1: {  	[spmem:s2] =	stream.indirect.scatter.add.f32 [tilespmem:s5], [sflag:$0x4], $0x1, s23, s30, $0xb8;
	[tilespmem:$0x1E200] =	vst v63  }
0xb2: {  	s24 =	simm.s32 $0x9340  }
0xb3: {  	[tilespmem:s31], [sflag:$0x2] =	stream.indirect.gather [spmem:s3], $0x1, s24, s30, $0xb8;
	[tilespmem:$0x1E200] =	vst v63  }
0xb4: {  	_ =	swait.ge [sflag:s6], $0x1860  }
0xb5: {  	[sflag:s6] =	ssyncset.done $0x0  }
0xb6: {  	s14 =	simm.s32 $0x0;
	[sflag:s6] =	ssyncadd.s32 $0xFFFFE7A0  }
0xb7: {  	v0 =	vld [tilespmem:s14+$0xDCE0]  }
0xb8: {  	s15 =	simm.s32 $0x40;
	s17 =	simm.s32 $0x1880;
	v1 =	vld [tilespmem:s14+$0x13F80]  }
.LBB2_6:
0xb9: {  	_ = 	snop  }
0xba: {  	p1 =	sne.s32 s15, $0x6140  }
.Ltmp2:
0xbb: {  	_ = 	snop;
	(pc) =	sbr.rel @p1 .LBB2_6-.Ltmp2, $4  }
0xbc: {  	_ = 	snop  }
0xbd: {  	s16 =	sshra.s32 s15, $0x2;
	v2 =	vmul.f32 v1, v0  }
0xbe: {  	v0 =	vld [tilespmem:s16+$0xDCE0]  }
0xbf: {  	s15 =	sadd.s32 $0x40, s15;
	v1 =	vld [tilespmem:s16+$0x13F80];
	[tilespmem:s14+$0x17180] =	vst v2;
	s14 =	smov.u32 s16  }
0xc0: {  	_ =	sdelay $0x3  }
0xc1: {  	v0 =	vmul.f32 v1, v0;
	_ =	sdelay $0x1  }
0xc2: {  	[tilespmem:s14+$0x17180] =	vst v0  }
0xc3: {  	[spmem:s2] =	stream.indirect.scatter.add.f32 [tilespmem:s7], [sflag:$0x5], $0x1, s17, s30, $0xb8;
	[tilespmem:$0x1E200] =	vst v63  }
0xc4: {  	s24 =	simm.s32 $0xABA0  }
0xc5: {  	[tilespmem:s0], [sflag:$0x3] =	stream.indirect.gather [spmem:s3], $0x1, s24, s8, $0xb8;
	[tilespmem:$0x1E200] =	vst v63  }
0xc6: {  	_ =	swait.ge [sflag:s1], $0x1860  }
0xc7: {  	[sflag:s1] =	ssyncset.done $0x0  }
0xc8: {  	[sflag:s1] =	ssyncadd.s32 $0xFFFFE7A0  }
0xc9: {  	_ =	swait.ge [sflag:s9], $0x1860  }
0xca: {  	[sflag:s9] =	ssyncset.done $0x0  }
0xcb: {  	s14 =	simm.s32 $0x0;
	[sflag:s9] =	ssyncadd.s32 $0xFFFFE7A0  }
0xcc: {  	v0 =	vld [tilespmem:s14+$0xF540]  }
0xcd: {  	s15 =	simm.s32 $0x40;
	s18 =	simm.s32 $0x3100;
	v1 =	vld [tilespmem:s14+$0x12680]  }
.LBB2_8:
0xce: {  	_ = 	snop  }
0xcf: {  	p1 =	sne.s32 s15, $0x6140  }
.Ltmp3:
0xd0: {  	_ = 	snop;
	(pc) =	sbr.rel @p1 .LBB2_8-.Ltmp3, $4  }
0xd1: {  	_ = 	snop  }
0xd2: {  	s16 =	sshra.s32 s15, $0x2;
	v2 =	vmul.f32 v1, v0  }
0xd3: {  	v0 =	vld [tilespmem:s16+$0xF540]  }
0xd4: {  	s15 =	sadd.s32 $0x40, s15;
	v1 =	vld [tilespmem:s16+$0x12680];
	[tilespmem:s14+$0x15880] =	vst v2;
	s14 =	smov.u32 s16  }
0xd5: {  	_ =	sdelay $0x3  }
0xd6: {  	v0 =	vmul.f32 v1, v0;
	_ =	sdelay $0x1  }
0xd7: {  	[tilespmem:s14+$0x15880] =	vst v0  }
0xd8: {  	[spmem:s2] =	stream.indirect.scatter.add.f32 [tilespmem:s5], [sflag:$0x4], $0x1, s18, s30, $0xb8;
	[tilespmem:$0x1E200] =	vst v63  }
0xd9: {  	_ =	swait.ge [sflag:s6], $0x1888  }
0xda: {  	[sflag:s6] =	ssyncset.done $0x0  }
0xdb: {  	[sflag:s6] =	ssyncadd.s32 $0xFFFFE778  }
0xdc: {  	_ =	swait.ge [sflag:s10], $0x1860  }
0xdd: {  	[sflag:s10] =	ssyncset.done $0x0  }
0xde: {  	s14 =	simm.s32 $0x0;
	[sflag:s10] =	ssyncadd.s32 $0xFFFFE7A0  }
0xdf: {  	v0 =	vld [tilespmem:s14+$0x10DA0]  }
0xe0: {  	s15 =	simm.s32 $0x40;
	v1 =	vld [tilespmem:s14+$0x13F80]  }
.LBB2_10:
0xe1: {  	_ = 	snop  }
0xe2: {  	p1 =	sne.s32 s15, $0x6200  }
.Ltmp4:
0xe3: {  	_ = 	snop;
	(pc) =	sbr.rel @p1 .LBB2_10-.Ltmp4, $4  }
0xe4: {  	_ = 	snop  }
0xe5: {  	s16 =	sshra.s32 s15, $0x2;
	v2 =	vmul.f32 v1, v0  }
0xe6: {  	v0 =	vld [tilespmem:s16+$0x10DA0]  }
0xe7: {  	s15 =	sadd.s32 $0x40, s15;
	v1 =	vld [tilespmem:s16+$0x13F80];
	[tilespmem:s14+$0x17180] =	vst v2;
	s14 =	smov.u32 s16  }
0xe8: {  	_ =	sdelay $0x3  }
0xe9: {  	v0 =	vmul.f32 v1, v0;
	_ =	sdelay $0x1  }
0xea: {  	s15 =	simm.s32 $0x4980;
	[tilespmem:s14+$0x17180] =	vst v0  }
0xeb: {  	[spmem:s2] =	stream.indirect.scatter.add.f32 [tilespmem:s7], [sflag:$0x5], $0x1, s15, s8, $0xb8;
	[tilespmem:$0x1E200] =	vst v63  }
0xec: {  	_ =	swait.ge [sflag:s9], $0x1860  }
0xed: {  	[sflag:s9] =	ssyncset.done $0x0  }
0xee: {  	[sflag:s9] =	ssyncadd.s32 $0xFFFFE7A0  }
0xef: {  	_ =	swait.ge [sflag:s10], $0x1888  }
0xf0: {  	[sflag:s10] =	ssyncset.done $0x0  }
0xf1: {  	s11 =	sadd.s32 $0x1, s11;
	[sflag:s10] =	ssyncadd.s32 $0xFFFFE778  }
0xf2: {  	s16 =	simm.s32 $0x20;
	p1 =	sne.s32 s11, s20;
	[bflag:$0x0] =	sbarrier.arrive $0xFFFF  }
.Ltmp5:
0xf3: {  	s21 =	simm.s32 $0x10;
	s24 =	rddreg [dreg:$0x12];
	(pc) =	sbr.rel @p1 .LBB2_1-.Ltmp5, $4  }
0xf4: {  	[hbm:s24@s16], [sflag:s13] =	dma.strided [spmem:s12@s21], $0x190, s25, $0x10   }
0xf5: {  	_ =	swait.ge [sflag:s26], $0x190  }
0xf6: {  	[sflag:s26] =	ssyncset.done $0x0  }
0xf7: {  	[sflag:s26] =	ssyncadd.s32 $0xFFFFFE70  }
0xf8: {  	_ =	sfence.sel $0x180000  }
0xf9: {  	[bflag:$0x0] =	sbarrier.arrive $0xFFFF  }
0xfa: {  	_ =	strace $0x9000004A  }
0xfb: {  	s0 =	stileid.u32;
	[bflag:$0x2] =	sbarrier.arrive $0xFFFF  }
0xfc: {  	p0 =	sne.s32 s0, $0x0;
	s0 =	rddreg [dreg:$0x4]  }
0xfd: {  	s0 =	sadd.s32 @!p0 $0x100000, s0  }
0xfe: {  	[sflag:s0] =	ssyncadd.tile.s32 @!p0 $0x1;
	_ =	shalt  }
.Lfunc_end2:
_tile_overlayer_lowered:
.L_overlay_start_2:
0xff: {  	(tag) =	ssettag $0x2  }
0x100: {  	s0 =	rddreg [dreg:$0x0];
	s2 =	stileid.u32  }
0x101: {  	s1 =	rddreg [dreg:$0x1];
	p0 =	sne.s32 s2, $0x0  }
0x102: {  	s3 =	rddreg [dreg:$0x2];
	[bflag:$0x3] =	sbarrier.arrive $0xFFFF;
	s2 =	simm.s32 @!p0 $0x1C06  }
0x103: {  	[timem:s3], [sflag:s2] =	dma.local @!p0 [hbm:s0], s1  }
0x104: {  	s0 =	simm.s32 @!p0 $0x6  }
0x105: {  	_ =	swait.ge @!p0 [sflag:s0], s1  }
0x106: {  	s1 =	ssub.s32 @!p0 $0x0, s1;
	[sflag:s0] =	ssyncset.done @!p0 $0x0  }
0x107: {  	[sflag:s0] =	ssyncadd.s32 @!p0 s1  }
0x108: {  	[bflag:$0x3] =	sbarrier.arrive $0xFFFF  }
0x109: {  	_ =	shalt  }

</sc_bundles>
